<compile_context>
chip_gen: v7x
topology: tpu7x:2x2x1
jax: 0.10.2.dev20260603
libtpu: 0.0.44.dev20260713+nightly
codegen_flags: <defaults>
</compile_context>

<pallas_src>
import jax
import jax.numpy as jnp
from jax import lax
from jax.experimental import pallas as pl
from jax.experimental.pallas import tpu as pltpu
from jax.experimental.pallas import tpu_sc as plsc

_B, _L = 16384, 200
_NC, _NS = 2, 16
_NW = _NC * _NS
_COLS_W = _B // _NW
_CCHUNK = 128
_NCHUNK = _COLS_W // _CCHUNK
_TBL = 1024
_LANES = 16
_SEG = _CCHUNK // _LANES


def _body(table_hbm, idx_hbm, out_hbm,
          etab_v, idx0, idx1, out0, out1, si0, si1, so0, so1):
    wid = lax.axis_index("s") * _NC + lax.axis_index("c")
    col_base = wid * _COLS_W
    idx_b, out_b, si, so = (idx0, idx1), (out0, out1), (si0, si1), (so0, so1)

    pend_in = {}
    pend_out = {}
    pend_in[0] = pltpu.async_copy(
        idx_hbm.at[:, pl.ds(col_base, _CCHUNK)], idx0, si0)

    pltpu.sync_copy(table_hbm, etab_v)

    def expb(j, carry):
        sl = pl.ds(j * _LANES, _LANES)
        etab_v[sl] = jnp.exp(etab_v[sl])
        return carry

    lax.fori_loop(0, _TBL // _LANES, expb, 0)

    for c in range(_NCHUNK):
        b = c & 1
        if c + 1 < _NCHUNK:
            pend_in[c + 1] = pltpu.async_copy(
                idx_hbm.at[:, pl.ds(col_base + (c + 1) * _CCHUNK, _CCHUNK)],
                idx_b[1 - b], si[1 - b])
        pend_in[c].wait()
        if c >= 2:
            pend_out[c - 2].wait()

        @plsc.parallel_loop(0, _L, 1, unroll=4)
        def gb(r, _ib=idx_b[b], _ob=out_b[b]):
            for u in range(_SEG):
                sl = pl.ds(u * _LANES, _LANES)
                _ob[r, sl] = plsc.load_gather(etab_v, [_ib[r, sl]])

        pend_out[c] = pltpu.async_copy(
            out_b[b],
            out_hbm.at[:, pl.ds(col_base + c * _CCHUNK, _CCHUNK)], so[b])

    pend_out[_NCHUNK - 2].wait()
    pend_out[_NCHUNK - 1].wait()


@jax.jit
def _run(table, idx_t):
    mesh = plsc.VectorSubcoreMesh(core_axis_name="c", subcore_axis_name="s")
    f = pl.kernel(
        _body,
        out_type=jax.ShapeDtypeStruct((_L, _B), jnp.float32),
        mesh=mesh,
        scratch_types=[
            pltpu.VMEM((_TBL,), jnp.float32),
            pltpu.VMEM((_L, _CCHUNK), jnp.int32),
            pltpu.VMEM((_L, _CCHUNK), jnp.int32),
            pltpu.VMEM((_L, _CCHUNK), jnp.float32),
            pltpu.VMEM((_L, _CCHUNK), jnp.float32),
            pltpu.SemaphoreType.DMA,
            pltpu.SemaphoreType.DMA,
            pltpu.SemaphoreType.DMA,
            pltpu.SemaphoreType.DMA,
        ],
        compiler_params=pltpu.CompilerParams(needs_layout_passes=False),
    )
    return f(table, idx_t).T


def kernel(encoded_parents, masks, kmer_embedding):
    del masks
    return _run(kmer_embedding.reshape(-1), encoded_parents.T)

# --- scband reference (transcript-rebuilt; emitter-appended) ---
"""Pipeline reference for scband-fivemer-model-22402549416719 (READ-ONLY COPY).

The authoritative reference and input builder live on the scoring server;
editing this copy changes nothing except your own understanding.
"""

import jax, jax.numpy as jnp
import numpy as np

KMER_COUNT = 4 ** 5  # 1024 kmers of length 5 over ACGT

def setup_inputs(seed: int = 0) -> dict:
    key = jax.random.key(seed)
    k1, k2 = jax.random.split(key)
    encoded_parents = jax.random.randint(k1, (16384, 200), 0, KMER_COUNT, dtype=jnp.int64 if jax.config.jax_enable_x64 else jnp.int32).astype(jnp.int32)
    masks = jnp.ones((16384, 200), dtype=jnp.bool_)
    kmer_embedding = jax.random.normal(k2, (KMER_COUNT, 1), dtype=jnp.float32) * 0.02
    return {"encoded_parents": encoded_parents, "masks": masks, "kmer_embedding": kmer_embedding}

def reference(encoded_parents, masks, kmer_embedding):
    # log_kmer_rates = embedding(encoded_parents).squeeze()
    log_kmer_rates = jnp.take(kmer_embedding, encoded_parents, axis=0)  # [B, L, 1]
    log_kmer_rates = jnp.squeeze(log_kmer_rates, axis=-1)               # [B, L]
    rates = jnp.exp(log_kmer_rates)
    return rates

if __name__ == "__main__":
    import jax
    _d = setup_inputs()
    print(jax.jit(kernel)(*tuple(_d.values())))

</pallas_src>

<mosaic_0001>
#map = affine_map<(d0, d1) -> (0)>
#map1 = affine_map<(d0, d1) -> (0, 0)>
module attributes {stable_mosaic.version = 14 : i64} {
  func.func @_body(%arg0: i32, %arg1: i32, %arg2: memref<1024xf32, #tpu.memory_space<hbm>>, %arg3: memref<200x16384xi32, #tpu.memory_space<hbm>>, %arg4: memref<200x16384xf32, #tpu.memory_space<hbm>>, %arg5: memref<1024xf32, #tpu.memory_space<vmem>>, %arg6: memref<200x128xi32, #tpu.memory_space<vmem>>, %arg7: memref<200x128xi32, #tpu.memory_space<vmem>>, %arg8: memref<200x128xf32, #tpu.memory_space<vmem>>, %arg9: memref<200x128xf32, #tpu.memory_space<vmem>>, %arg10: memref<!tpu.dma_semaphore, #tpu.memory_space<semaphore_mem>>, %arg11: memref<!tpu.dma_semaphore, #tpu.memory_space<semaphore_mem>>, %arg12: memref<!tpu.dma_semaphore, #tpu.memory_space<semaphore_mem>>, %arg13: memref<!tpu.dma_semaphore, #tpu.memory_space<semaphore_mem>>) attributes {dimension_semantics = [#tpu.dimension_semantics<core_parallel>, #tpu.dimension_semantics<subcore_parallel>], iteration_bounds = array<i64: 2, 16>, scalar_prefetch = 0 : i64, scratch_operands = 9 : i64, tpu.core_type = #tpu.core_type<sc_vector_subcore>, window_params = [{transform_indices = #map}, {transform_indices = #map1}, {transform_indices = #map1}]} {
    %mul3A = arith.constant 2 : i32
    %mul3A_0 = arith.muli %arg1, %mul3A : i32
    %add3A = arith.addi %mul3A_0, %arg0 : i32
    %mul3A_1 = arith.constant 512 : i32
    %mul3A_2 = arith.muli %add3A, %mul3A_1 : i32
    %dma_start3A = arith.constant 0 : i32
    %dma_start3A_3 = tpu.memref_slice %arg3[%dma_start3A, %mul3A_2] : memref<200x16384xi32, #tpu.memory_space<hbm>> -> memref<200x128xi32, #tpu.memory_space<hbm>>
    %dma_start3A_4 = arith.constant 0 : i32
    %dma_start3A_5 = tpu.memref_slice %arg3[%dma_start3A_4, %mul3A_2] : memref<200x16384xi32, #tpu.memory_space<hbm>> -> memref<200x128xi32, #tpu.memory_space<hbm>>
    tpu.enqueue_dma source(%dma_start3A_5 : memref<200x128xi32, #tpu.memory_space<hbm>>) target(%arg6 : memref<200x128xi32, #tpu.memory_space<vmem>>) target_semaphore(%arg10 : memref<!tpu.dma_semaphore, #tpu.memory_space<semaphore_mem>>)
    "tpu.region"() ({
      %run_scoped3A = tpu.sem_alloc : memref<!tpu.dma_semaphore, #tpu.memory_space<semaphore_mem>>
      tpu.enqueue_dma source(%arg2 : memref<1024xf32, #tpu.memory_space<hbm>>) target(%arg5 : memref<1024xf32, #tpu.memory_space<vmem>>) target_semaphore(%run_scoped3A : memref<!tpu.dma_semaphore, #tpu.memory_space<semaphore_mem>>)
      tpu.wait_dma2 semaphore(%run_scoped3A : memref<!tpu.dma_semaphore, #tpu.memory_space<semaphore_mem>>) src(%arg2 : memref<1024xf32, #tpu.memory_space<hbm>>) dst(%arg5 : memref<1024xf32, #tpu.memory_space<vmem>>)
      tpu.yield
    }) : () -> ()
    %scan3A = arith.constant 0 : i32
    %scan3A_6 = arith.constant 0 : i32
    %scan3A_7 = arith.constant 64 : i32
    %scan3A_8 = arith.addi %scan3A_6, %scan3A_7 : i32
    %scan3A_9 = arith.constant 1 : i32
    scf.for %scan3A_95 = %scan3A_6 to %scan3A_8 step %scan3A_9  : i32 {
      %mul3A_96 = arith.constant 16 : i32
      %mul3A_97 = arith.muli %scan3A_95, %mul3A_96 : i32
      %get3A = arith.index_cast %mul3A_97 : i32 to index
      %get3A_98 = tpu.vector_load %arg5[%get3A] {strides = array<i32>} : memref<1024xf32, #tpu.memory_space<vmem>>, vector<16xf32>,
      %exp3A = math.exp %get3A_98 : vector<16xf32>
      %swap3A = arith.index_cast %mul3A_97 : i32 to index
      %swap3A_99 = tpu.vector_load %arg5[%swap3A] {strides = array<i32>} : memref<1024xf32, #tpu.memory_space<vmem>>, vector<16xf32>,
      tpu.vector_store %arg5[%swap3A], %exp3A {strides = array<i32>} : memref<1024xf32, #tpu.memory_space<vmem>>, vector<16xf32>,
    }
    %scan3A_10 = arith.constant 64 : i32
    %add3A_11 = arith.constant 128 : i32
    %add3A_12 = arith.addi %mul3A_2, %add3A_11 : i32
    %dma_start3A_13 = arith.constant 0 : i32
    %dma_start3A_14 = tpu.memref_slice %arg3[%dma_start3A_13, %add3A_12] : memref<200x16384xi32, #tpu.memory_space<hbm>> -> memref<200x128xi32, #tpu.memory_space<hbm>>
    %dma_start3A_15 = arith.constant 0 : i32
    %dma_start3A_16 = tpu.memref_slice %arg3[%dma_start3A_15, %add3A_12] : memref<200x16384xi32, #tpu.memory_space<hbm>> -> memref<200x128xi32, #tpu.memory_space<hbm>>
    tpu.enqueue_dma source(%dma_start3A_16 : memref<200x128xi32, #tpu.memory_space<hbm>>) target(%arg7 : memref<200x128xi32, #tpu.memory_space<vmem>>) target_semaphore(%arg11 : memref<!tpu.dma_semaphore, #tpu.memory_space<semaphore_mem>>)
    %dma_wait3A = arith.constant 0 : i32
    %dma_wait3A_17 = tpu.memref_slice %arg3[%dma_wait3A, %mul3A_2] : memref<200x16384xi32, #tpu.memory_space<hbm>> -> memref<200x128xi32, #tpu.memory_space<hbm>>
    %dma_wait3A_18 = arith.constant 0 : i32
    %dma_wait3A_19 = tpu.memref_slice %arg3[%dma_wait3A_18, %mul3A_2] : memref<200x16384xi32, #tpu.memory_space<hbm>> -> memref<200x128xi32, #tpu.memory_space<hbm>>
    tpu.wait_dma2 semaphore(%arg10 : memref<!tpu.dma_semaphore, #tpu.memory_space<semaphore_mem>>) src(%dma_wait3A_19 : memref<200x128xi32, #tpu.memory_space<hbm>>) dst(%arg6 : memref<200x128xi32, #tpu.memory_space<vmem>>)
    %parallel_loop3A = arith.constant 0 : i32
    %parallel_loop3A_20 = arith.constant 200 : i32
    %parallel_loop3A_21 = arith.constant 1 : i32
    scf.for %parallel_loop3A_95 = %parallel_loop3A to %parallel_loop3A_20 step %parallel_loop3A_21  : i32 {
      %parallel_loop3A_96 = arith.index_cast %parallel_loop3A_95 : i32 to index
      %parallel_loop3A_97 = arith.constant 0 : index
      %parallel_loop3A_98 = tpu.vector_load %arg6[%parallel_loop3A_96, %parallel_loop3A_97] {strides = array<i32>} : memref<200x128xi32, #tpu.memory_space<vmem>>, vector<16xi32>,
      %parallel_loop3A_99 = tpu.vector_load_idx %arg5[%parallel_loop3A_98] : memref<1024xf32, #tpu.memory_space<vmem>>[vector<16xi32>], vector<16xf32>,
      %parallel_loop3A_100 = arith.index_cast %parallel_loop3A_95 : i32 to index
      %parallel_loop3A_101 = arith.constant 0 : index
      %parallel_loop3A_102 = tpu.vector_load %arg8[%parallel_loop3A_100, %parallel_loop3A_101] {strides = array<i32>} : memref<200x128xf32, #tpu.memory_space<vmem>>, vector<16xf32>,
      tpu.vector_store %arg8[%parallel_loop3A_100, %parallel_loop3A_101], %parallel_loop3A_99 {strides = array<i32>} : memref<200x128xf32, #tpu.memory_space<vmem>>, vector<16xf32>,
      %parallel_loop3A_103 = arith.index_cast %parallel_loop3A_95 : i32 to index
      %parallel_loop3A_104 = arith.constant 16 : index
      %parallel_loop3A_105 = tpu.vector_load %arg6[%parallel_loop3A_103, %parallel_loop3A_104] {strides = array<i32>} : memref<200x128xi32, #tpu.memory_space<vmem>>, vector<16xi32>,
      %parallel_loop3A_106 = tpu.vector_load_idx %arg5[%parallel_loop3A_105] : memref<1024xf32, #tpu.memory_space<vmem>>[vector<16xi32>], vector<16xf32>,
      %parallel_loop3A_107 = arith.index_cast %parallel_loop3A_95 : i32 to index
      %parallel_loop3A_108 = arith.constant 16 : index
      %parallel_loop3A_109 = tpu.vector_load %arg8[%parallel_loop3A_107, %parallel_loop3A_108] {strides = array<i32>} : memref<200x128xf32, #tpu.memory_space<vmem>>, vector<16xf32>,
      tpu.vector_store %arg8[%parallel_loop3A_107, %parallel_loop3A_108], %parallel_loop3A_106 {strides = array<i32>} : memref<200x128xf32, #tpu.memory_space<vmem>>, vector<16xf32>,
      %parallel_loop3A_110 = arith.index_cast %parallel_loop3A_95 : i32 to index
      %parallel_loop3A_111 = arith.constant 32 : index
      %parallel_loop3A_112 = tpu.vector_load %arg6[%parallel_loop3A_110, %parallel_loop3A_111] {strides = array<i32>} : memref<200x128xi32, #tpu.memory_space<vmem>>, vector<16xi32>,
      %parallel_loop3A_113 = tpu.vector_load_idx %arg5[%parallel_loop3A_112] : memref<1024xf32, #tpu.memory_space<vmem>>[vector<16xi32>], vector<16xf32>,
      %parallel_loop3A_114 = arith.index_cast %parallel_loop3A_95 : i32 to index
      %parallel_loop3A_115 = arith.constant 32 : index
      %parallel_loop3A_116 = tpu.vector_load %arg8[%parallel_loop3A_114, %parallel_loop3A_115] {strides = array<i32>} : memref<200x128xf32, #tpu.memory_space<vmem>>, vector<16xf32>,
      tpu.vector_store %arg8[%parallel_loop3A_114, %parallel_loop3A_115], %parallel_loop3A_113 {strides = array<i32>} : memref<200x128xf32, #tpu.memory_space<vmem>>, vector<16xf32>,
      %parallel_loop3A_117 = arith.index_cast %parallel_loop3A_95 : i32 to index
      %parallel_loop3A_118 = arith.constant 48 : index
      %parallel_loop3A_119 = tpu.vector_load %arg6[%parallel_loop3A_117, %parallel_loop3A_118] {strides = array<i32>} : memref<200x128xi32, #tpu.memory_space<vmem>>, vector<16xi32>,
      %parallel_loop3A_120 = tpu.vector_load_idx %arg5[%parallel_loop3A_119] : memref<1024xf32, #tpu.memory_space<vmem>>[vector<16xi32>], vector<16xf32>,
      %parallel_loop3A_121 = arith.index_cast %parallel_loop3A_95 : i32 to index
      %parallel_loop3A_122 = arith.constant 48 : index
      %parallel_loop3A_123 = tpu.vector_load %arg8[%parallel_loop3A_121, %parallel_loop3A_122] {strides = array<i32>} : memref<200x128xf32, #tpu.memory_space<vmem>>, vector<16xf32>,
      tpu.vector_store %arg8[%parallel_loop3A_121, %parallel_loop3A_122], %parallel_loop3A_120 {strides = array<i32>} : memref<200x128xf32, #tpu.memory_space<vmem>>, vector<16xf32>,
      %parallel_loop3A_124 = arith.index_cast %parallel_loop3A_95 : i32 to index
      %parallel_loop3A_125 = arith.constant 64 : index
      %parallel_loop3A_126 = tpu.vector_load %arg6[%parallel_loop3A_124, %parallel_loop3A_125] {strides = array<i32>} : memref<200x128xi32, #tpu.memory_space<vmem>>, vector<16xi32>,
      %parallel_loop3A_127 = tpu.vector_load_idx %arg5[%parallel_loop3A_126] : memref<1024xf32, #tpu.memory_space<vmem>>[vector<16xi32>], vector<16xf32>,
      %parallel_loop3A_128 = arith.index_cast %parallel_loop3A_95 : i32 to index
      %parallel_loop3A_129 = arith.constant 64 : index
      %parallel_loop3A_130 = tpu.vector_load %arg8[%parallel_loop3A_128, %parallel_loop3A_129] {strides = array<i32>} : memref<200x128xf32, #tpu.memory_space<vmem>>, vector<16xf32>,
      tpu.vector_store %arg8[%parallel_loop3A_128, %parallel_loop3A_129], %parallel_loop3A_127 {strides = array<i32>} : memref<200x128xf32, #tpu.memory_space<vmem>>, vector<16xf32>,
      %parallel_loop3A_131 = arith.index_cast %parallel_loop3A_95 : i32 to index
      %parallel_loop3A_132 = arith.constant 80 : index
      %parallel_loop3A_133 = tpu.vector_load %arg6[%parallel_loop3A_131, %parallel_loop3A_132] {strides = array<i32>} : memref<200x128xi32, #tpu.memory_space<vmem>>, vector<16xi32>,
      %parallel_loop3A_134 = tpu.vector_load_idx %arg5[%parallel_loop3A_133] : memref<1024xf32, #tpu.memory_space<vmem>>[vector<16xi32>], vector<16xf32>,
      %parallel_loop3A_135 = arith.index_cast %parallel_loop3A_95 : i32 to index
      %parallel_loop3A_136 = arith.constant 80 : index
      %parallel_loop3A_137 = tpu.vector_load %arg8[%parallel_loop3A_135, %parallel_loop3A_136] {strides = array<i32>} : memref<200x128xf32, #tpu.memory_space<vmem>>, vector<16xf32>,
      tpu.vector_store %arg8[%parallel_loop3A_135, %parallel_loop3A_136], %parallel_loop3A_134 {strides = array<i32>} : memref<200x128xf32, #tpu.memory_space<vmem>>, vector<16xf32>,
      %parallel_loop3A_138 = arith.index_cast %parallel_loop3A_95 : i32 to index
      %parallel_loop3A_139 = arith.constant 96 : index
      %parallel_loop3A_140 = tpu.vector_load %arg6[%parallel_loop3A_138, %parallel_loop3A_139] {strides = array<i32>} : memref<200x128xi32, #tpu.memory_space<vmem>>, vector<16xi32>,
      %parallel_loop3A_141 = tpu.vector_load_idx %arg5[%parallel_loop3A_140] : memref<1024xf32, #tpu.memory_space<vmem>>[vector<16xi32>], vector<16xf32>,
      %parallel_loop3A_142 = arith.index_cast %parallel_loop3A_95 : i32 to index
      %parallel_loop3A_143 = arith.constant 96 : index
      %parallel_loop3A_144 = tpu.vector_load %arg8[%parallel_loop3A_142, %parallel_loop3A_143] {strides = array<i32>} : memref<200x128xf32, #tpu.memory_space<vmem>>, vector<16xf32>,
      tpu.vector_store %arg8[%parallel_loop3A_142, %parallel_loop3A_143], %parallel_loop3A_141 {strides = array<i32>} : memref<200x128xf32, #tpu.memory_space<vmem>>, vector<16xf32>,
      %parallel_loop3A_145 = arith.index_cast %parallel_loop3A_95 : i32 to index
      %parallel_loop3A_146 = arith.constant 112 : index
      %parallel_loop3A_147 = tpu.vector_load %arg6[%parallel_loop3A_145, %parallel_loop3A_146] {strides = array<i32>} : memref<200x128xi32, #tpu.memory_space<vmem>>, vector<16xi32>,
      %parallel_loop3A_148 = tpu.vector_load_idx %arg5[%parallel_loop3A_147] : memref<1024xf32, #tpu.memory_space<vmem>>[vector<16xi32>], vector<16xf32>,
      %parallel_loop3A_149 = arith.index_cast %parallel_loop3A_95 : i32 to index
      %parallel_loop3A_150 = arith.constant 112 : index
      %parallel_loop3A_151 = tpu.vector_load %arg8[%parallel_loop3A_149, %parallel_loop3A_150] {strides = array<i32>} : memref<200x128xf32, #tpu.memory_space<vmem>>, vector<16xf32>,
      tpu.vector_store %arg8[%parallel_loop3A_149, %parallel_loop3A_150], %parallel_loop3A_148 {strides = array<i32>} : memref<200x128xf32, #tpu.memory_space<vmem>>, vector<16xf32>,
    } {sc.loop_unroll_factor = 4 : i64, sc.parallel_access}
    %add3A_22 = arith.constant 0 : i32
    %add3A_23 = arith.addi %mul3A_2, %add3A_22 : i32
    %dma_start3A_24 = arith.constant 0 : i32
    %dma_start3A_25 = tpu.memref_slice %arg4[%dma_start3A_24, %add3A_23] : memref<200x16384xf32, #tpu.memory_space<hbm>> -> memref<200x128xf32, #tpu.memory_space<hbm>>
    %dma_start3A_26 = arith.constant 0 : i32
    %dma_start3A_27 = tpu.memref_slice %arg4[%dma_start3A_26, %add3A_23] : memref<200x16384xf32, #tpu.memory_space<hbm>> -> memref<200x128xf32, #tpu.memory_space<hbm>>
    tpu.enqueue_dma source(%arg8 : memref<200x128xf32, #tpu.memory_space<vmem>>) target(%dma_start3A_27 : memref<200x128xf32, #tpu.memory_space<hbm>>) target_semaphore(%arg12 : memref<!tpu.dma_semaphore, #tpu.memory_space<semaphore_mem>>)
    %add3A_28 = arith.constant 256 : i32
    %add3A_29 = arith.addi %mul3A_2, %add3A_28 : i32
    %dma_start3A_30 = arith.constant 0 : i32
    %dma_start3A_31 = tpu.memref_slice %arg3[%dma_start3A_30, %add3A_29] : memref<200x16384xi32, #tpu.memory_space<hbm>> -> memref<200x128xi32, #tpu.memory_space<hbm>>
    %dma_start3A_32 = arith.constant 0 : i32
    %dma_start3A_33 = tpu.memref_slice %arg3[%dma_start3A_32, %add3A_29] : memref<200x16384xi32, #tpu.memory_space<hbm>> -> memref<200x128xi32, #tpu.memory_space<hbm>>
    tpu.enqueue_dma source(%dma_start3A_33 : memref<200x128xi32, #tpu.memory_space<hbm>>) target(%arg6 : memref<200x128xi32, #tpu.memory_space<vmem>>) target_semaphore(%arg10 : memref<!tpu.dma_semaphore, #tpu.memory_space<semaphore_mem>>)
    %dma_wait3A_34 = arith.constant 0 : i32
    %dma_wait3A_35 = tpu.memref_slice %arg3[%dma_wait3A_34, %add3A_12] : memref<200x16384xi32, #tpu.memory_space<hbm>> -> memref<200x128xi32, #tpu.memory_space<hbm>>
    %dma_wait3A_36 = arith.constant 0 : i32
    %dma_wait3A_37 = tpu.memref_slice %arg3[%dma_wait3A_36, %add3A_12] : memref<200x16384xi32, #tpu.memory_space<hbm>> -> memref<200x128xi32, #tpu.memory_space<hbm>>
    tpu.wait_dma2 semaphore(%arg11 : memref<!tpu.dma_semaphore, #tpu.memory_space<semaphore_mem>>) src(%dma_wait3A_37 : memref<200x128xi32, #tpu.memory_space<hbm>>) dst(%arg7 : memref<200x128xi32, #tpu.memory_space<vmem>>)
    %parallel_loop3A_38 = arith.constant 0 : i32
    %parallel_loop3A_39 = arith.constant 200 : i32
    %parallel_loop3A_40 = arith.constant 1 : i32
    scf.for %parallel_loop3A_95 = %parallel_loop3A_38 to %parallel_loop3A_39 step %parallel_loop3A_40  : i32 {
      %parallel_loop3A_96 = arith.index_cast %parallel_loop3A_95 : i32 to index
      %parallel_loop3A_97 = arith.constant 0 : index
      %parallel_loop3A_98 = tpu.vector_load %arg7[%parallel_loop3A_96, %parallel_loop3A_97] {strides = array<i32>} : memref<200x128xi32, #tpu.memory_space<vmem>>, vector<16xi32>,
      %parallel_loop3A_99 = tpu.vector_load_idx %arg5[%parallel_loop3A_98] : memref<1024xf32, #tpu.memory_space<vmem>>[vector<16xi32>], vector<16xf32>,
      %parallel_loop3A_100 = arith.index_cast %parallel_loop3A_95 : i32 to index
      %parallel_loop3A_101 = arith.constant 0 : index
      %parallel_loop3A_102 = tpu.vector_load %arg9[%parallel_loop3A_100, %parallel_loop3A_101] {strides = array<i32>} : memref<200x128xf32, #tpu.memory_space<vmem>>, vector<16xf32>,
      tpu.vector_store %arg9[%parallel_loop3A_100, %parallel_loop3A_101], %parallel_loop3A_99 {strides = array<i32>} : memref<200x128xf32, #tpu.memory_space<vmem>>, vector<16xf32>,
      %parallel_loop3A_103 = arith.index_cast %parallel_loop3A_95 : i32 to index
      %parallel_loop3A_104 = arith.constant 16 : index
      %parallel_loop3A_105 = tpu.vector_load %arg7[%parallel_loop3A_103, %parallel_loop3A_104] {strides = array<i32>} : memref<200x128xi32, #tpu.memory_space<vmem>>, vector<16xi32>,
      %parallel_loop3A_106 = tpu.vector_load_idx %arg5[%parallel_loop3A_105] : memref<1024xf32, #tpu.memory_space<vmem>>[vector<16xi32>], vector<16xf32>,
      %parallel_loop3A_107 = arith.index_cast %parallel_loop3A_95 : i32 to index
      %parallel_loop3A_108 = arith.constant 16 : index
      %parallel_loop3A_109 = tpu.vector_load %arg9[%parallel_loop3A_107, %parallel_loop3A_108] {strides = array<i32>} : memref<200x128xf32, #tpu.memory_space<vmem>>, vector<16xf32>,
      tpu.vector_store %arg9[%parallel_loop3A_107, %parallel_loop3A_108], %parallel_loop3A_106 {strides = array<i32>} : memref<200x128xf32, #tpu.memory_space<vmem>>, vector<16xf32>,
      %parallel_loop3A_110 = arith.index_cast %parallel_loop3A_95 : i32 to index
      %parallel_loop3A_111 = arith.constant 32 : index
      %parallel_loop3A_112 = tpu.vector_load %arg7[%parallel_loop3A_110, %parallel_loop3A_111] {strides = array<i32>} : memref<200x128xi32, #tpu.memory_space<vmem>>, vector<16xi32>,
      %parallel_loop3A_113 = tpu.vector_load_idx %arg5[%parallel_loop3A_112] : memref<1024xf32, #tpu.memory_space<vmem>>[vector<16xi32>], vector<16xf32>,
      %parallel_loop3A_114 = arith.index_cast %parallel_loop3A_95 : i32 to index
      %parallel_loop3A_115 = arith.constant 32 : index
      %parallel_loop3A_116 = tpu.vector_load %arg9[%parallel_loop3A_114, %parallel_loop3A_115] {strides = array<i32>} : memref<200x128xf32, #tpu.memory_space<vmem>>, vector<16xf32>,
      tpu.vector_store %arg9[%parallel_loop3A_114, %parallel_loop3A_115], %parallel_loop3A_113 {strides = array<i32>} : memref<200x128xf32, #tpu.memory_space<vmem>>, vector<16xf32>,
      %parallel_loop3A_117 = arith.index_cast %parallel_loop3A_95 : i32 to index
      %parallel_loop3A_118 = arith.constant 48 : index
      %parallel_loop3A_119 = tpu.vector_load %arg7[%parallel_loop3A_117, %parallel_loop3A_118] {strides = array<i32>} : memref<200x128xi32, #tpu.memory_space<vmem>>, vector<16xi32>,
      %parallel_loop3A_120 = tpu.vector_load_idx %arg5[%parallel_loop3A_119] : memref<1024xf32, #tpu.memory_space<vmem>>[vector<16xi32>], vector<16xf32>,
      %parallel_loop3A_121 = arith.index_cast %parallel_loop3A_95 : i32 to index
      %parallel_loop3A_122 = arith.constant 48 : index
      %parallel_loop3A_123 = tpu.vector_load %arg9[%parallel_loop3A_121, %parallel_loop3A_122] {strides = array<i32>} : memref<200x128xf32, #tpu.memory_space<vmem>>, vector<16xf32>,
      tpu.vector_store %arg9[%parallel_loop3A_121, %parallel_loop3A_122], %parallel_loop3A_120 {strides = array<i32>} : memref<200x128xf32, #tpu.memory_space<vmem>>, vector<16xf32>,
      %parallel_loop3A_124 = arith.index_cast %parallel_loop3A_95 : i32 to index
      %parallel_loop3A_125 = arith.constant 64 : index
      %parallel_loop3A_126 = tpu.vector_load %arg7[%parallel_loop3A_124, %parallel_loop3A_125] {strides = array<i32>} : memref<200x128xi32, #tpu.memory_space<vmem>>, vector<16xi32>,
      %parallel_loop3A_127 = tpu.vector_load_idx %arg5[%parallel_loop3A_126] : memref<1024xf32, #tpu.memory_space<vmem>>[vector<16xi32>], vector<16xf32>,
      %parallel_loop3A_128 = arith.index_cast %parallel_loop3A_95 : i32 to index
      %parallel_loop3A_129 = arith.constant 64 : index
      %parallel_loop3A_130 = tpu.vector_load %arg9[%parallel_loop3A_128, %parallel_loop3A_129] {strides = array<i32>} : memref<200x128xf32, #tpu.memory_space<vmem>>, vector<16xf32>,
      tpu.vector_store %arg9[%parallel_loop3A_128, %parallel_loop3A_129], %parallel_loop3A_127 {strides = array<i32>} : memref<200x128xf32, #tpu.memory_space<vmem>>, vector<16xf32>,
      %parallel_loop3A_131 = arith.index_cast %parallel_loop3A_95 : i32 to index
      %parallel_loop3A_132 = arith.constant 80 : index
      %parallel_loop3A_133 = tpu.vector_load %arg7[%parallel_loop3A_131, %parallel_loop3A_132] {strides = array<i32>} : memref<200x128xi32, #tpu.memory_space<vmem>>, vector<16xi32>,
      %parallel_loop3A_134 = tpu.vector_load_idx %arg5[%parallel_loop3A_133] : memref<1024xf32, #tpu.memory_space<vmem>>[vector<16xi32>], vector<16xf32>,
      %parallel_loop3A_135 = arith.index_cast %parallel_loop3A_95 : i32 to index
      %parallel_loop3A_136 = arith.constant 80 : index
      %parallel_loop3A_137 = tpu.vector_load %arg9[%parallel_loop3A_135, %parallel_loop3A_136] {strides = array<i32>} : memref<200x128xf32, #tpu.memory_space<vmem>>, vector<16xf32>,
      tpu.vector_store %arg9[%parallel_loop3A_135, %parallel_loop3A_136], %parallel_loop3A_134 {strides = array<i32>} : memref<200x128xf32, #tpu.memory_space<vmem>>, vector<16xf32>,
      %parallel_loop3A_138 = arith.index_cast %parallel_loop3A_95 : i32 to index
      %parallel_loop3A_139 = arith.constant 96 : index
      %parallel_loop3A_140 = tpu.vector_load %arg7[%parallel_loop3A_138, %parallel_loop3A_139] {strides = array<i32>} : memref<200x128xi32, #tpu.memory_space<vmem>>, vector<16xi32>,
      %parallel_loop3A_141 = tpu.vector_load_idx %arg5[%parallel_loop3A_140] : memref<1024xf32, #tpu.memory_space<vmem>>[vector<16xi32>], vector<16xf32>,
      %parallel_loop3A_142 = arith.index_cast %parallel_loop3A_95 : i32 to index
      %parallel_loop3A_143 = arith.constant 96 : index
      %parallel_loop3A_144 = tpu.vector_load %arg9[%parallel_loop3A_142, %parallel_loop3A_143] {strides = array<i32>} : memref<200x128xf32, #tpu.memory_space<vmem>>, vector<16xf32>,
      tpu.vector_store %arg9[%parallel_loop3A_142, %parallel_loop3A_143], %parallel_loop3A_141 {strides = array<i32>} : memref<200x128xf32, #tpu.memory_space<vmem>>, vector<16xf32>,
      %parallel_loop3A_145 = arith.index_cast %parallel_loop3A_95 : i32 to index
      %parallel_loop3A_146 = arith.constant 112 : index
      %parallel_loop3A_147 = tpu.vector_load %arg7[%parallel_loop3A_145, %parallel_loop3A_146] {strides = array<i32>} : memref<200x128xi32, #tpu.memory_space<vmem>>, vector<16xi32>,
      %parallel_loop3A_148 = tpu.vector_load_idx %arg5[%parallel_loop3A_147] : memref<1024xf32, #tpu.memory_space<vmem>>[vector<16xi32>], vector<16xf32>,
      %parallel_loop3A_149 = arith.index_cast %parallel_loop3A_95 : i32 to index
      %parallel_loop3A_150 = arith.constant 112 : index
      %parallel_loop3A_151 = tpu.vector_load %arg9[%parallel_loop3A_149, %parallel_loop3A_150] {strides = array<i32>} : memref<200x128xf32, #tpu.memory_space<vmem>>, vector<16xf32>,
      tpu.vector_store %arg9[%parallel_loop3A_149, %parallel_loop3A_150], %parallel_loop3A_148 {strides = array<i32>} : memref<200x128xf32, #tpu.memory_space<vmem>>, vector<16xf32>,
    } {sc.loop_unroll_factor = 4 : i64, sc.parallel_access}
    %add3A_41 = arith.constant 128 : i32
    %add3A_42 = arith.addi %mul3A_2, %add3A_41 : i32
    %dma_start3A_43 = arith.constant 0 : i32
    %dma_start3A_44 = tpu.memref_slice %arg4[%dma_start3A_43, %add3A_42] : memref<200x16384xf32, #tpu.memory_space<hbm>> -> memref<200x128xf32, #tpu.memory_space<hbm>>
    %dma_start3A_45 = arith.constant 0 : i32
    %dma_start3A_46 = tpu.memref_slice %arg4[%dma_start3A_45, %add3A_42] : memref<200x16384xf32, #tpu.memory_space<hbm>> -> memref<200x128xf32, #tpu.memory_space<hbm>>
    tpu.enqueue_dma source(%arg9 : memref<200x128xf32, #tpu.memory_space<vmem>>) target(%dma_start3A_46 : memref<200x128xf32, #tpu.memory_space<hbm>>) target_semaphore(%arg13 : memref<!tpu.dma_semaphore, #tpu.memory_space<semaphore_mem>>)
    %add3A_47 = arith.constant 384 : i32
    %add3A_48 = arith.addi %mul3A_2, %add3A_47 : i32
    %dma_start3A_49 = arith.constant 0 : i32
    %dma_start3A_50 = tpu.memref_slice %arg3[%dma_start3A_49, %add3A_48] : memref<200x16384xi32, #tpu.memory_space<hbm>> -> memref<200x128xi32, #tpu.memory_space<hbm>>
    %dma_start3A_51 = arith.constant 0 : i32
    %dma_start3A_52 = tpu.memref_slice %arg3[%dma_start3A_51, %add3A_48] : memref<200x16384xi32, #tpu.memory_space<hbm>> -> memref<200x128xi32, #tpu.memory_space<hbm>>
    tpu.enqueue_dma source(%dma_start3A_52 : memref<200x128xi32, #tpu.memory_space<hbm>>) target(%arg7 : memref<200x128xi32, #tpu.memory_space<vmem>>) target_semaphore(%arg11 : memref<!tpu.dma_semaphore, #tpu.memory_space<semaphore_mem>>)
    %dma_wait3A_53 = arith.constant 0 : i32
    %dma_wait3A_54 = tpu.memref_slice %arg3[%dma_wait3A_53, %add3A_29] : memref<200x16384xi32, #tpu.memory_space<hbm>> -> memref<200x128xi32, #tpu.memory_space<hbm>>
    %dma_wait3A_55 = arith.constant 0 : i32
    %dma_wait3A_56 = tpu.memref_slice %arg3[%dma_wait3A_55, %add3A_29] : memref<200x16384xi32, #tpu.memory_space<hbm>> -> memref<200x128xi32, #tpu.memory_space<hbm>>
    tpu.wait_dma2 semaphore(%arg10 : memref<!tpu.dma_semaphore, #tpu.memory_space<semaphore_mem>>) src(%dma_wait3A_56 : memref<200x128xi32, #tpu.memory_space<hbm>>) dst(%arg6 : memref<200x128xi32, #tpu.memory_space<vmem>>)
    %dma_wait3A_57 = arith.constant 0 : i32
    %dma_wait3A_58 = tpu.memref_slice %arg4[%dma_wait3A_57, %add3A_23] : memref<200x16384xf32, #tpu.memory_space<hbm>> -> memref<200x128xf32, #tpu.memory_space<hbm>>
    %dma_wait3A_59 = arith.constant 0 : i32
    %dma_wait3A_60 = tpu.memref_slice %arg4[%dma_wait3A_59, %add3A_23] : memref<200x16384xf32, #tpu.memory_space<hbm>> -> memref<200x128xf32, #tpu.memory_space<hbm>>
    tpu.wait_dma2 semaphore(%arg12 : memref<!tpu.dma_semaphore, #tpu.memory_space<semaphore_mem>>) src(%arg8 : memref<200x128xf32, #tpu.memory_space<vmem>>) dst(%dma_wait3A_60 : memref<200x128xf32, #tpu.memory_space<hbm>>)
    %parallel_loop3A_61 = arith.constant 0 : i32
    %parallel_loop3A_62 = arith.constant 200 : i32
    %parallel_loop3A_63 = arith.constant 1 : i32
    scf.for %parallel_loop3A_95 = %parallel_loop3A_61 to %parallel_loop3A_62 step %parallel_loop3A_63  : i32 {
      %parallel_loop3A_96 = arith.index_cast %parallel_loop3A_95 : i32 to index
      %parallel_loop3A_97 = arith.constant 0 : index
      %parallel_loop3A_98 = tpu.vector_load %arg6[%parallel_loop3A_96, %parallel_loop3A_97] {strides = array<i32>} : memref<200x128xi32, #tpu.memory_space<vmem>>, vector<16xi32>,
      %parallel_loop3A_99 = tpu.vector_load_idx %arg5[%parallel_loop3A_98] : memref<1024xf32, #tpu.memory_space<vmem>>[vector<16xi32>], vector<16xf32>,
      %parallel_loop3A_100 = arith.index_cast %parallel_loop3A_95 : i32 to index
      %parallel_loop3A_101 = arith.constant 0 : index
      %parallel_loop3A_102 = tpu.vector_load %arg8[%parallel_loop3A_100, %parallel_loop3A_101] {strides = array<i32>} : memref<200x128xf32, #tpu.memory_space<vmem>>, vector<16xf32>,
      tpu.vector_store %arg8[%parallel_loop3A_100, %parallel_loop3A_101], %parallel_loop3A_99 {strides = array<i32>} : memref<200x128xf32, #tpu.memory_space<vmem>>, vector<16xf32>,
      %parallel_loop3A_103 = arith.index_cast %parallel_loop3A_95 : i32 to index
      %parallel_loop3A_104 = arith.constant 16 : index
      %parallel_loop3A_105 = tpu.vector_load %arg6[%parallel_loop3A_103, %parallel_loop3A_104] {strides = array<i32>} : memref<200x128xi32, #tpu.memory_space<vmem>>, vector<16xi32>,
      %parallel_loop3A_106 = tpu.vector_load_idx %arg5[%parallel_loop3A_105] : memref<1024xf32, #tpu.memory_space<vmem>>[vector<16xi32>], vector<16xf32>,
      %parallel_loop3A_107 = arith.index_cast %parallel_loop3A_95 : i32 to index
      %parallel_loop3A_108 = arith.constant 16 : index
      %parallel_loop3A_109 = tpu.vector_load %arg8[%parallel_loop3A_107, %parallel_loop3A_108] {strides = array<i32>} : memref<200x128xf32, #tpu.memory_space<vmem>>, vector<16xf32>,
      tpu.vector_store %arg8[%parallel_loop3A_107, %parallel_loop3A_108], %parallel_loop3A_106 {strides = array<i32>} : memref<200x128xf32, #tpu.memory_space<vmem>>, vector<16xf32>,
      %parallel_loop3A_110 = arith.index_cast %parallel_loop3A_95 : i32 to index
      %parallel_loop3A_111 = arith.constant 32 : index
      %parallel_loop3A_112 = tpu.vector_load %arg6[%parallel_loop3A_110, %parallel_loop3A_111] {strides = array<i32>} : memref<200x128xi32, #tpu.memory_space<vmem>>, vector<16xi32>,
      %parallel_loop3A_113 = tpu.vector_load_idx %arg5[%parallel_loop3A_112] : memref<1024xf32, #tpu.memory_space<vmem>>[vector<16xi32>], vector<16xf32>,
      %parallel_loop3A_114 = arith.index_cast %parallel_loop3A_95 : i32 to index
      %parallel_loop3A_115 = arith.constant 32 : index
      %parallel_loop3A_116 = tpu.vector_load %arg8[%parallel_loop3A_114, %parallel_loop3A_115] {strides = array<i32>} : memref<200x128xf32, #tpu.memory_space<vmem>>, vector<16xf32>,
      tpu.vector_store %arg8[%parallel_loop3A_114, %parallel_loop3A_115], %parallel_loop3A_113 {strides = array<i32>} : memref<200x128xf32, #tpu.memory_space<vmem>>, vector<16xf32>,
      %parallel_loop3A_117 = arith.index_cast %parallel_loop3A_95 : i32 to index
      %parallel_loop3A_118 = arith.constant 48 : index
      %parallel_loop3A_119 = tpu.vector_load %arg6[%parallel_loop3A_117, %parallel_loop3A_118] {strides = array<i32>} : memref<200x128xi32, #tpu.memory_space<vmem>>, vector<16xi32>,
      %parallel_loop3A_120 = tpu.vector_load_idx %arg5[%parallel_loop3A_119] : memref<1024xf32, #tpu.memory_space<vmem>>[vector<16xi32>], vector<16xf32>,
      %parallel_loop3A_121 = arith.index_cast %parallel_loop3A_95 : i32 to index
      %parallel_loop3A_122 = arith.constant 48 : index
      %parallel_loop3A_123 = tpu.vector_load %arg8[%parallel_loop3A_121, %parallel_loop3A_122] {strides = array<i32>} : memref<200x128xf32, #tpu.memory_space<vmem>>, vector<16xf32>,
      tpu.vector_store %arg8[%parallel_loop3A_121, %parallel_loop3A_122], %parallel_loop3A_120 {strides = array<i32>} : memref<200x128xf32, #tpu.memory_space<vmem>>, vector<16xf32>,
      %parallel_loop3A_124 = arith.index_cast %parallel_loop3A_95 : i32 to index
      %parallel_loop3A_125 = arith.constant 64 : index
      %parallel_loop3A_126 = tpu.vector_load %arg6[%parallel_loop3A_124, %parallel_loop3A_125] {strides = array<i32>} : memref<200x128xi32, #tpu.memory_space<vmem>>, vector<16xi32>,
      %parallel_loop3A_127 = tpu.vector_load_idx %arg5[%parallel_loop3A_126] : memref<1024xf32, #tpu.memory_space<vmem>>[vector<16xi32>], vector<16xf32>,
      %parallel_loop3A_128 = arith.index_cast %parallel_loop3A_95 : i32 to index
      %parallel_loop3A_129 = arith.constant 64 : index
      %parallel_loop3A_130 = tpu.vector_load %arg8[%parallel_loop3A_128, %parallel_loop3A_129] {strides = array<i32>} : memref<200x128xf32, #tpu.memory_space<vmem>>, vector<16xf32>,
      tpu.vector_store %arg8[%parallel_loop3A_128, %parallel_loop3A_129], %parallel_loop3A_127 {strides = array<i32>} : memref<200x128xf32, #tpu.memory_space<vmem>>, vector<16xf32>,
      %parallel_loop3A_131 = arith.index_cast %parallel_loop3A_95 : i32 to index
      %parallel_loop3A_132 = arith.constant 80 : index
      %parallel_loop3A_133 = tpu.vector_load %arg6[%parallel_loop3A_131, %parallel_loop3A_132] {strides = array<i32>} : memref<200x128xi32, #tpu.memory_space<vmem>>, vector<16xi32>,
      %parallel_loop3A_134 = tpu.vector_load_idx %arg5[%parallel_loop3A_133] : memref<1024xf32, #tpu.memory_space<vmem>>[vector<16xi32>], vector<16xf32>,
      %parallel_loop3A_135 = arith.index_cast %parallel_loop3A_95 : i32 to index
      %parallel_loop3A_136 = arith.constant 80 : index
      %parallel_loop3A_137 = tpu.vector_load %arg8[%parallel_loop3A_135, %parallel_loop3A_136] {strides = array<i32>} : memref<200x128xf32, #tpu.memory_space<vmem>>, vector<16xf32>,
      tpu.vector_store %arg8[%parallel_loop3A_135, %parallel_loop3A_136], %parallel_loop3A_134 {strides = array<i32>} : memref<200x128xf32, #tpu.memory_space<vmem>>, vector<16xf32>,
      %parallel_loop3A_138 = arith.index_cast %parallel_loop3A_95 : i32 to index
      %parallel_loop3A_139 = arith.constant 96 : index
      %parallel_loop3A_140 = tpu.vector_load %arg6[%parallel_loop3A_138, %parallel_loop3A_139] {strides = array<i32>} : memref<200x128xi32, #tpu.memory_space<vmem>>, vector<16xi32>,
      %parallel_loop3A_141 = tpu.vector_load_idx %arg5[%parallel_loop3A_140] : memref<1024xf32, #tpu.memory_space<vmem>>[vector<16xi32>], vector<16xf32>,
      %parallel_loop3A_142 = arith.index_cast %parallel_loop3A_95 : i32 to index
      %parallel_loop3A_143 = arith.constant 96 : index
      %parallel_loop3A_144 = tpu.vector_load %arg8[%parallel_loop3A_142, %parallel_loop3A_143] {strides = array<i32>} : memref<200x128xf32, #tpu.memory_space<vmem>>, vector<16xf32>,
      tpu.vector_store %arg8[%parallel_loop3A_142, %parallel_loop3A_143], %parallel_loop3A_141 {strides = array<i32>} : memref<200x128xf32, #tpu.memory_space<vmem>>, vector<16xf32>,
      %parallel_loop3A_145 = arith.index_cast %parallel_loop3A_95 : i32 to index
      %parallel_loop3A_146 = arith.constant 112 : index
      %parallel_loop3A_147 = tpu.vector_load %arg6[%parallel_loop3A_145, %parallel_loop3A_146] {strides = array<i32>} : memref<200x128xi32, #tpu.memory_space<vmem>>, vector<16xi32>,
      %parallel_loop3A_148 = tpu.vector_load_idx %arg5[%parallel_loop3A_147] : memref<1024xf32, #tpu.memory_space<vmem>>[vector<16xi32>], vector<16xf32>,
      %parallel_loop3A_149 = arith.index_cast %parallel_loop3A_95 : i32 to index
      %parallel_loop3A_150 = arith.constant 112 : index
      %parallel_loop3A_151 = tpu.vector_load %arg8[%parallel_loop3A_149, %parallel_loop3A_150] {strides = array<i32>} : memref<200x128xf32, #tpu.memory_space<vmem>>, vector<16xf32>,
      tpu.vector_store %arg8[%parallel_loop3A_149, %parallel_loop3A_150], %parallel_loop3A_148 {strides = array<i32>} : memref<200x128xf32, #tpu.memory_space<vmem>>, vector<16xf32>,
    } {sc.loop_unroll_factor = 4 : i64, sc.parallel_access}
    %add3A_64 = arith.constant 256 : i32
    %add3A_65 = arith.addi %mul3A_2, %add3A_64 : i32
    %dma_start3A_66 = arith.constant 0 : i32
    %dma_start3A_67 = tpu.memref_slice %arg4[%dma_start3A_66, %add3A_65] : memref<200x16384xf32, #tpu.memory_space<hbm>> -> memref<200x128xf32, #tpu.memory_space<hbm>>
    %dma_start3A_68 = arith.constant 0 : i32
    %dma_start3A_69 = tpu.memref_slice %arg4[%dma_start3A_68, %add3A_65] : memref<200x16384xf32, #tpu.memory_space<hbm>> -> memref<200x128xf32, #tpu.memory_space<hbm>>
    tpu.enqueue_dma source(%arg8 : memref<200x128xf32, #tpu.memory_space<vmem>>) target(%dma_start3A_69 : memref<200x128xf32, #tpu.memory_space<hbm>>) target_semaphore(%arg12 : memref<!tpu.dma_semaphore, #tpu.memory_space<semaphore_mem>>)
    %dma_wait3A_70 = arith.constant 0 : i32
    %dma_wait3A_71 = tpu.memref_slice %arg3[%dma_wait3A_70, %add3A_48] : memref<200x16384xi32, #tpu.memory_space<hbm>> -> memref<200x128xi32, #tpu.memory_space<hbm>>
    %dma_wait3A_72 = arith.constant 0 : i32
    %dma_wait3A_73 = tpu.memref_slice %arg3[%dma_wait3A_72, %add3A_48] : memref<200x16384xi32, #tpu.memory_space<hbm>> -> memref<200x128xi32, #tpu.memory_space<hbm>>
    tpu.wait_dma2 semaphore(%arg11 : memref<!tpu.dma_semaphore, #tpu.memory_space<semaphore_mem>>) src(%dma_wait3A_73 : memref<200x128xi32, #tpu.memory_space<hbm>>) dst(%arg7 : memref<200x128xi32, #tpu.memory_space<vmem>>)
    %dma_wait3A_74 = arith.constant 0 : i32
    %dma_wait3A_75 = tpu.memref_slice %arg4[%dma_wait3A_74, %add3A_42] : memref<200x16384xf32, #tpu.memory_space<hbm>> -> memref<200x128xf32, #tpu.memory_space<hbm>>
    %dma_wait3A_76 = arith.constant 0 : i32
    %dma_wait3A_77 = tpu.memref_slice %arg4[%dma_wait3A_76, %add3A_42] : memref<200x16384xf32, #tpu.memory_space<hbm>> -> memref<200x128xf32, #tpu.memory_space<hbm>>
    tpu.wait_dma2 semaphore(%arg13 : memref<!tpu.dma_semaphore, #tpu.memory_space<semaphore_mem>>) src(%arg9 : memref<200x128xf32, #tpu.memory_space<vmem>>) dst(%dma_wait3A_77 : memref<200x128xf32, #tpu.memory_space<hbm>>)
    %parallel_loop3A_78 = arith.constant 0 : i32
    %parallel_loop3A_79 = arith.constant 200 : i32
    %parallel_loop3A_80 = arith.constant 1 : i32
    scf.for %parallel_loop3A_95 = %parallel_loop3A_78 to %parallel_loop3A_79 step %parallel_loop3A_80  : i32 {
      %parallel_loop3A_96 = arith.index_cast %parallel_loop3A_95 : i32 to index
      %parallel_loop3A_97 = arith.constant 0 : index
      %parallel_loop3A_98 = tpu.vector_load %arg7[%parallel_loop3A_96, %parallel_loop3A_97] {strides = array<i32>} : memref<200x128xi32, #tpu.memory_space<vmem>>, vector<16xi32>,
      %parallel_loop3A_99 = tpu.vector_load_idx %arg5[%parallel_loop3A_98] : memref<1024xf32, #tpu.memory_space<vmem>>[vector<16xi32>], vector<16xf32>,
      %parallel_loop3A_100 = arith.index_cast %parallel_loop3A_95 : i32 to index
      %parallel_loop3A_101 = arith.constant 0 : index
      %parallel_loop3A_102 = tpu.vector_load %arg9[%parallel_loop3A_100, %parallel_loop3A_101] {strides = array<i32>} : memref<200x128xf32, #tpu.memory_space<vmem>>, vector<16xf32>,
      tpu.vector_store %arg9[%parallel_loop3A_100, %parallel_loop3A_101], %parallel_loop3A_99 {strides = array<i32>} : memref<200x128xf32, #tpu.memory_space<vmem>>, vector<16xf32>,
      %parallel_loop3A_103 = arith.index_cast %parallel_loop3A_95 : i32 to index
      %parallel_loop3A_104 = arith.constant 16 : index
      %parallel_loop3A_105 = tpu.vector_load %arg7[%parallel_loop3A_103, %parallel_loop3A_104] {strides = array<i32>} : memref<200x128xi32, #tpu.memory_space<vmem>>, vector<16xi32>,
      %parallel_loop3A_106 = tpu.vector_load_idx %arg5[%parallel_loop3A_105] : memref<1024xf32, #tpu.memory_space<vmem>>[vector<16xi32>], vector<16xf32>,
      %parallel_loop3A_107 = arith.index_cast %parallel_loop3A_95 : i32 to index
      %parallel_loop3A_108 = arith.constant 16 : index
      %parallel_loop3A_109 = tpu.vector_load %arg9[%parallel_loop3A_107, %parallel_loop3A_108] {strides = array<i32>} : memref<200x128xf32, #tpu.memory_space<vmem>>, vector<16xf32>,
      tpu.vector_store %arg9[%parallel_loop3A_107, %parallel_loop3A_108], %parallel_loop3A_106 {strides = array<i32>} : memref<200x128xf32, #tpu.memory_space<vmem>>, vector<16xf32>,
      %parallel_loop3A_110 = arith.index_cast %parallel_loop3A_95 : i32 to index
      %parallel_loop3A_111 = arith.constant 32 : index
      %parallel_loop3A_112 = tpu.vector_load %arg7[%parallel_loop3A_110, %parallel_loop3A_111] {strides = array<i32>} : memref<200x128xi32, #tpu.memory_space<vmem>>, vector<16xi32>,
      %parallel_loop3A_113 = tpu.vector_load_idx %arg5[%parallel_loop3A_112] : memref<1024xf32, #tpu.memory_space<vmem>>[vector<16xi32>], vector<16xf32>,
      %parallel_loop3A_114 = arith.index_cast %parallel_loop3A_95 : i32 to index
      %parallel_loop3A_115 = arith.constant 32 : index
      %parallel_loop3A_116 = tpu.vector_load %arg9[%parallel_loop3A_114, %parallel_loop3A_115] {strides = array<i32>} : memref<200x128xf32, #tpu.memory_space<vmem>>, vector<16xf32>,
      tpu.vector_store %arg9[%parallel_loop3A_114, %parallel_loop3A_115], %parallel_loop3A_113 {strides = array<i32>} : memref<200x128xf32, #tpu.memory_space<vmem>>, vector<16xf32>,
      %parallel_loop3A_117 = arith.index_cast %parallel_loop3A_95 : i32 to index
      %parallel_loop3A_118 = arith.constant 48 : index
      %parallel_loop3A_119 = tpu.vector_load %arg7[%parallel_loop3A_117, %parallel_loop3A_118] {strides = array<i32>} : memref<200x128xi32, #tpu.memory_space<vmem>>, vector<16xi32>,
      %parallel_loop3A_120 = tpu.vector_load_idx %arg5[%parallel_loop3A_119] : memref<1024xf32, #tpu.memory_space<vmem>>[vector<16xi32>], vector<16xf32>,
      %parallel_loop3A_121 = arith.index_cast %parallel_loop3A_95 : i32 to index
      %parallel_loop3A_122 = arith.constant 48 : index
      %parallel_loop3A_123 = tpu.vector_load %arg9[%parallel_loop3A_121, %parallel_loop3A_122] {strides = array<i32>} : memref<200x128xf32, #tpu.memory_space<vmem>>, vector<16xf32>,
      tpu.vector_store %arg9[%parallel_loop3A_121, %parallel_loop3A_122], %parallel_loop3A_120 {strides = array<i32>} : memref<200x128xf32, #tpu.memory_space<vmem>>, vector<16xf32>,
      %parallel_loop3A_124 = arith.index_cast %parallel_loop3A_95 : i32 to index
      %parallel_loop3A_125 = arith.constant 64 : index
      %parallel_loop3A_126 = tpu.vector_load %arg7[%parallel_loop3A_124, %parallel_loop3A_125] {strides = array<i32>} : memref<200x128xi32, #tpu.memory_space<vmem>>, vector<16xi32>,
      %parallel_loop3A_127 = tpu.vector_load_idx %arg5[%parallel_loop3A_126] : memref<1024xf32, #tpu.memory_space<vmem>>[vector<16xi32>], vector<16xf32>,
      %parallel_loop3A_128 = arith.index_cast %parallel_loop3A_95 : i32 to index
      %parallel_loop3A_129 = arith.constant 64 : index
      %parallel_loop3A_130 = tpu.vector_load %arg9[%parallel_loop3A_128, %parallel_loop3A_129] {strides = array<i32>} : memref<200x128xf32, #tpu.memory_space<vmem>>, vector<16xf32>,
      tpu.vector_store %arg9[%parallel_loop3A_128, %parallel_loop3A_129], %parallel_loop3A_127 {strides = array<i32>} : memref<200x128xf32, #tpu.memory_space<vmem>>, vector<16xf32>,
      %parallel_loop3A_131 = arith.index_cast %parallel_loop3A_95 : i32 to index
      %parallel_loop3A_132 = arith.constant 80 : index
      %parallel_loop3A_133 = tpu.vector_load %arg7[%parallel_loop3A_131, %parallel_loop3A_132] {strides = array<i32>} : memref<200x128xi32, #tpu.memory_space<vmem>>, vector<16xi32>,
      %parallel_loop3A_134 = tpu.vector_load_idx %arg5[%parallel_loop3A_133] : memref<1024xf32, #tpu.memory_space<vmem>>[vector<16xi32>], vector<16xf32>,
      %parallel_loop3A_135 = arith.index_cast %parallel_loop3A_95 : i32 to index
      %parallel_loop3A_136 = arith.constant 80 : index
      %parallel_loop3A_137 = tpu.vector_load %arg9[%parallel_loop3A_135, %parallel_loop3A_136] {strides = array<i32>} : memref<200x128xf32, #tpu.memory_space<vmem>>, vector<16xf32>,
      tpu.vector_store %arg9[%parallel_loop3A_135, %parallel_loop3A_136], %parallel_loop3A_134 {strides = array<i32>} : memref<200x128xf32, #tpu.memory_space<vmem>>, vector<16xf32>,
      %parallel_loop3A_138 = arith.index_cast %parallel_loop3A_95 : i32 to index
      %parallel_loop3A_139 = arith.constant 96 : index
      %parallel_loop3A_140 = tpu.vector_load %arg7[%parallel_loop3A_138, %parallel_loop3A_139] {strides = array<i32>} : memref<200x128xi32, #tpu.memory_space<vmem>>, vector<16xi32>,
      %parallel_loop3A_141 = tpu.vector_load_idx %arg5[%parallel_loop3A_140] : memref<1024xf32, #tpu.memory_space<vmem>>[vector<16xi32>], vector<16xf32>,
      %parallel_loop3A_142 = arith.index_cast %parallel_loop3A_95 : i32 to index
      %parallel_loop3A_143 = arith.constant 96 : index
      %parallel_loop3A_144 = tpu.vector_load %arg9[%parallel_loop3A_142, %parallel_loop3A_143] {strides = array<i32>} : memref<200x128xf32, #tpu.memory_space<vmem>>, vector<16xf32>,
      tpu.vector_store %arg9[%parallel_loop3A_142, %parallel_loop3A_143], %parallel_loop3A_141 {strides = array<i32>} : memref<200x128xf32, #tpu.memory_space<vmem>>, vector<16xf32>,
      %parallel_loop3A_145 = arith.index_cast %parallel_loop3A_95 : i32 to index
      %parallel_loop3A_146 = arith.constant 112 : index
      %parallel_loop3A_147 = tpu.vector_load %arg7[%parallel_loop3A_145, %parallel_loop3A_146] {strides = array<i32>} : memref<200x128xi32, #tpu.memory_space<vmem>>, vector<16xi32>,
      %parallel_loop3A_148 = tpu.vector_load_idx %arg5[%parallel_loop3A_147] : memref<1024xf32, #tpu.memory_space<vmem>>[vector<16xi32>], vector<16xf32>,
      %parallel_loop3A_149 = arith.index_cast %parallel_loop3A_95 : i32 to index
      %parallel_loop3A_150 = arith.constant 112 : index
      %parallel_loop3A_151 = tpu.vector_load %arg9[%parallel_loop3A_149, %parallel_loop3A_150] {strides = array<i32>} : memref<200x128xf32, #tpu.memory_space<vmem>>, vector<16xf32>,
      tpu.vector_store %arg9[%parallel_loop3A_149, %parallel_loop3A_150], %parallel_loop3A_148 {strides = array<i32>} : memref<200x128xf32, #tpu.memory_space<vmem>>, vector<16xf32>,
    } {sc.loop_unroll_factor = 4 : i64, sc.parallel_access}
    %add3A_81 = arith.constant 384 : i32
    %add3A_82 = arith.addi %mul3A_2, %add3A_81 : i32
    %dma_start3A_83 = arith.constant 0 : i32
    %dma_start3A_84 = tpu.memref_slice %arg4[%dma_start3A_83, %add3A_82] : memref<200x16384xf32, #tpu.memory_space<hbm>> -> memref<200x128xf32, #tpu.memory_space<hbm>>
    %dma_start3A_85 = arith.constant 0 : i32
    %dma_start3A_86 = tpu.memref_slice %arg4[%dma_start3A_85, %add3A_82] : memref<200x16384xf32, #tpu.memory_space<hbm>> -> memref<200x128xf32, #tpu.memory_space<hbm>>
    tpu.enqueue_dma source(%arg9 : memref<200x128xf32, #tpu.memory_space<vmem>>) target(%dma_start3A_86 : memref<200x128xf32, #tpu.memory_space<hbm>>) target_semaphore(%arg13 : memref<!tpu.dma_semaphore, #tpu.memory_space<semaphore_mem>>)
    %dma_wait3A_87 = arith.constant 0 : i32
    %dma_wait3A_88 = tpu.memref_slice %arg4[%dma_wait3A_87, %add3A_65] : memref<200x16384xf32, #tpu.memory_space<hbm>> -> memref<200x128xf32, #tpu.memory_space<hbm>>
    %dma_wait3A_89 = arith.constant 0 : i32
    %dma_wait3A_90 = tpu.memref_slice %arg4[%dma_wait3A_89, %add3A_65] : memref<200x16384xf32, #tpu.memory_space<hbm>> -> memref<200x128xf32, #tpu.memory_space<hbm>>
    tpu.wait_dma2 semaphore(%arg12 : memref<!tpu.dma_semaphore, #tpu.memory_space<semaphore_mem>>) src(%arg8 : memref<200x128xf32, #tpu.memory_space<vmem>>) dst(%dma_wait3A_90 : memref<200x128xf32, #tpu.memory_space<hbm>>)
    %dma_wait3A_91 = arith.constant 0 : i32
    %dma_wait3A_92 = tpu.memref_slice %arg4[%dma_wait3A_91, %add3A_82] : memref<200x16384xf32, #tpu.memory_space<hbm>> -> memref<200x128xf32, #tpu.memory_space<hbm>>
    %dma_wait3A_93 = arith.constant 0 : i32
    %dma_wait3A_94 = tpu.memref_slice %arg4[%dma_wait3A_93, %add3A_82] : memref<200x16384xf32, #tpu.memory_space<hbm>> -> memref<200x128xf32, #tpu.memory_space<hbm>>
    tpu.wait_dma2 semaphore(%arg13 : memref<!tpu.dma_semaphore, #tpu.memory_space<semaphore_mem>>) src(%arg9 : memref<200x128xf32, #tpu.memory_space<vmem>>) dst(%dma_wait3A_94 : memref<200x128xf32, #tpu.memory_space<hbm>>)
    return
  }
}

</mosaic_0001>

<sc_bundles>
// kernel: _run.3.cloned.1.call-start
scs
__scs_entry_jumppad:
0x0: {  	(pc) =	sbr.rel $0x88, $3  }
0x1: {  	(tag) =	ssettag $0x0;
	lr =	simm.s32 $0x1  }
0x2: {  	[smem:$0x3F9F] =	sst lr;
	_ =	strace $0xD0000000  }
0x3: {  	_ = 	snop  }
0x4: {  	_ = 	snop  }
0x5: {  	_ = 	snop  }
0x6: {  	_ = 	snop  }
0x7: {  	_ = 	snop  }
__scs_overlays_trampoline_lowered:
0x8: {  	[smem:$0x3FAE] =	sst s0  }
0x9: {  	[smem:$0x3FAF] =	sst s1  }
0xa: {  	[smem:$0x3FB0] =	sst s2  }
0xb: {  	[smem:$0x3FB1] =	sst s3  }
0xc: {  	[smem:$0x3FB2] =	sst s4  }
0xd: {  	[smem:$0x3FB3] =	sst s5  }
0xe: {  	[smem:$0x3FB4] =	sst s6  }
0xf: {  	[smem:$0x3FB5] =	sst s7  }
0x10: {  	[smem:$0x3FB6] =	sst s8  }
0x11: {  	[smem:$0x3FB7] =	sst s9;
	s0 =	simm.s32 @!p0 $0x0  }
0x12: {  	s1 =	sld [smem:$0x3F9D];
	s0 =	simm.s32 @p0 $0x1  }
0x13: {  	[smem:$0x3FB8] =	sst s0;
	s0 =	simm.s32 @!p1 $0x0  }
0x14: {  	s2 =	sld [smem:$0x3F9C];
	s0 =	simm.s32 @p1 $0x1  }
0x15: {  	[smem:$0x3FB9] =	sst s0;
	s0 =	simm.s32 @!p2 $0x0  }
0x16: {  	s3 =	sld [smem:$0x3FDB];
	s0 =	simm.s32 @p2 $0x1  }
0x17: {  	s4 =	simm.s32 $0x1BF5;
	[smem:$0x3FBB] =	sst s0  }
0x18: {  	s0 =	sld [smem:$0x3F9E];
	_ =	swait.ge [sflag:s4], $0x0  }
0x19: {  	s7 =	sld [smem:$0x3F9F]  }
0x1a: {  	s8 =	sadd.s32 $0xFFFFE003, lr  }
0x1b: {  	s9 =	sadd.s32 $0xFFFFFEF7, lr;
	s5 =	simm.s32 $0xFFFFFFFF;
	p2 =	slt.u32 s8, $0xFFFFF086  }
0x1c: {  	p1 =	slt.u32 s9, $0xF7A;
	s5 =	simm.s32 @!p2 $0x0  }
0x1d: {  	s5 =	simm.s32 @p1 $0x1;
	p0 =	seq.s32 s7, s2  }
0x1e: {  	s7 =	smul.u32 @!p0 $0xF7A, s2;
	p2 =	seq.s32 @!p0 s5, $0x0  }
0x1f: {  	s9 =	smul.u32 $0xF7A, s1;
	s8 =	simm.s32 @!p0 $0x1BF5;
	p2 =	por !p2, p0  }
0x20: {  	[sflag:s8] =	ssyncset.s32 @!p0 $0xFFFFF086;
	s6 =	sadd.s32 @!p0 s3, s7;
	s7 =	simm.s32 @!p0 $0x108  }
0x21: {  	s3 =	sadd.s32 s3, s9;
	s6 =	sadd.s32 @!p0 $0x88, s6;
	s7 =	simm.s32 @p2 $0x1082  }
0x22: {  	[simem:s7], [sflag:s8] =	dma.local @!p0 [hbm:s6], $0xF7A  }
0x23: {  	s9 =	sor.u32 $0xD0000000, s2;
	s6 =	simm.s32 $0x108;
	_ =	swait.ge @!p0 [sflag:s8], $0x0  }
0x24: {  	s3 =	sadd.s32 $0x88, s3;
	s6 =	simm.s32 @!p1 $0x1082;
	[sflag:s4] =	ssyncset.s32 $0xFFFFF086  }
0x25: {  	[simem:s6], [sflag:s4] =	dma.local [hbm:s3], $0xF7A  }
0x26: {  	[smem:$0x3F9F] =	sst s1;
	(tag) =	ssettag s2;
	_ =	strace s9  }
0x27: {  	s1 =	sld [smem:$0x3FAF]  }
0x28: {  	s2 =	sld [smem:$0x3FB0]  }
0x29: {  	s4 =	sld [smem:$0x3FB2]  }
0x2a: {  	p0 =	seq.s32 s5, $0x0;
	s5 =	sld [smem:$0x3FB3]  }
0x2b: {  	s6 =	sld [smem:$0x3FB4]  }
0x2c: {  	s7 =	sld [smem:$0x3FB5]  }
0x2d: {  	s3 =	simm.s32 $0x108;
	s8 =	sld [smem:$0x3FB6]  }
0x2e: {  	s3 =	simm.s32 @!p0 $0x1082;
	s9 =	sld [smem:$0x3FB7]  }
0x2f: {  	lr =	sadd.s32 s0, s3;
	s0 =	sld [smem:$0x3FAE]  }
0x30: {  	s3 =	sld [smem:$0x3FB1]  }
0x31: {  	[smem:$0x3FBA] =	sst s10  }
0x32: {  	s10 =	sld [smem:$0x3FB8];
	_ =	sdelay $0x3  }
0x33: {  	p0 =	seq.s32 s10, $0x1;
	s10 =	sld [smem:$0x3FBA];
	_ =	sdelay $0x3  }
0x34: {  	[smem:$0x3FBA] =	sst s10  }
0x35: {  	s10 =	sld [smem:$0x3FB9];
	_ =	sdelay $0x3  }
0x36: {  	p1 =	seq.s32 s10, $0x1;
	s10 =	sld [smem:$0x3FBA];
	_ =	sdelay $0x3  }
0x37: {  	[smem:$0x3FBA] =	sst s10  }
0x38: {  	s10 =	sld [smem:$0x3FBB]  }
0x39: {  	_ = 	snop;
	(pc) =	sbr.ind lr, $3  }
0x3a: {  	_ = 	snop  }
0x3b: {  	_ = 	snop  }
0x3c: {  	p2 =	seq.s32 s10, $0x1;
	s10 =	sld [smem:$0x3FBA]  }
0x3d: {  	_ =	shalt  }
0x3e: {  	_ =	shalt  }
0x3f: {  	_ =	shalt  }
0x40: {  	_ =	shalt  }
0x41: {  	_ =	shalt  }
0x42: {  	_ =	shalt  }
0x43: {  	_ =	shalt  }
0x44: {  	_ =	shalt  }
0x45: {  	_ =	shalt  }
0x46: {  	_ =	shalt  }
0x47: {  	_ =	shalt  }
0x48: {  	_ =	shalt  }
0x49: {  	_ =	shalt  }
0x4a: {  	_ =	shalt  }
0x4b: {  	_ =	shalt  }
0x4c: {  	_ =	shalt  }
0x4d: {  	_ =	shalt  }
0x4e: {  	_ =	shalt  }
0x4f: {  	_ =	shalt  }
0x50: {  	_ =	shalt  }
0x51: {  	_ =	shalt  }
0x52: {  	_ =	shalt  }
0x53: {  	_ =	shalt  }
0x54: {  	_ =	shalt  }
0x55: {  	_ =	shalt  }
0x56: {  	_ =	shalt  }
0x57: {  	_ =	shalt  }
0x58: {  	_ =	shalt  }
0x59: {  	_ =	shalt  }
0x5a: {  	_ =	shalt  }
0x5b: {  	_ =	shalt  }
0x5c: {  	_ =	shalt  }
0x5d: {  	_ =	shalt  }
0x5e: {  	_ =	shalt  }
0x5f: {  	_ =	shalt  }
0x60: {  	_ =	shalt  }
0x61: {  	_ =	shalt  }
0x62: {  	_ =	shalt  }
0x63: {  	_ =	shalt  }
0x64: {  	_ =	shalt  }
0x65: {  	_ =	shalt  }
0x66: {  	_ =	shalt  }
0x67: {  	_ =	shalt  }
0x68: {  	_ =	shalt  }
0x69: {  	_ =	shalt  }
0x6a: {  	_ =	shalt  }
0x6b: {  	_ =	shalt  }
0x6c: {  	_ =	shalt  }
0x6d: {  	_ =	shalt  }
0x6e: {  	_ =	shalt  }
0x6f: {  	_ =	shalt  }
0x70: {  	_ =	shalt  }
0x71: {  	_ =	shalt  }
0x72: {  	_ =	shalt  }
0x73: {  	_ =	shalt  }
0x74: {  	_ =	shalt  }
0x75: {  	_ =	shalt  }
0x76: {  	_ =	shalt  }
0x77: {  	_ =	shalt  }
0x78: {  	_ =	shalt  }
0x79: {  	_ =	shalt  }
0x7a: {  	_ =	shalt  }
0x7b: {  	_ =	shalt  }
0x7c: {  	_ =	shalt  }
0x7d: {  	_ =	shalt  }
0x7e: {  	_ =	shalt  }
0x7f: {  	_ =	shalt  }
0x80: {  	_ =	shalt  }
0x81: {  	_ =	shalt  }
0x82: {  	_ =	shalt  }
0x83: {  	_ =	shalt  }
0x84: {  	_ =	shalt  }
0x85: {  	_ =	shalt  }
0x86: {  	_ =	shalt  }
0x87: {  	_ =	shalt  }
.Lfunc_end0:
.L_simem_size_0:
called_computation_lowered:
.L_overlay_start_0:
0x88: {  	s2 =	sld [smem:$0x3FD9]  }
0x89: {  	s3 =	sld [smem:$0x3FFE];
	_ =	sdelay $0x1  }
0x8a: {  	s1 =	srdreg.scid  }
0x8b: {  	s0 =	sand.u32 $0x1, s1  }
0x8c: {  	s18 =	sshll.u32 s0, $0xA;
	s2 =	sadd.s32 s3, s2  }
0x8d: {  	s2 =	sadd.s32 s2, s18  }
0x8e: {  	[smem:$0x3FC6] =	sst s2  }
0x8f: {  	_ = 	snop  }
0x90: {  	s2 =	sld [smem:$0x3FC9]  }
0x91: {  	s19 =	sld [smem:$0x3FC8]  }
0x92: {  	s4 =	sld [smem:$0x3FD0];
	(tm) =	ssettm $0x1  }
0x93: {  	s5 =	sld [smem:$0x3FFB];
	_ =	sdelay $0x3  }
0x94: {  	_ =	strace s5  }
0x95: {  	s5 =	sld [smem:$0x3FFC];
	_ =	sdelay $0x3  }
0x96: {  	_ =	strace s5  }
0x97: {  	s5 =	sld [smem:$0x3FFD];
	_ =	sdelay $0x3  }
0x98: {  	_ =	strace s5  }
0x99: {  	_ =	strace $0x8FFFFFFF  }
0x9a: {  	s20 =	sld [smem:$0x3FDB];
	_ =	sdelay $0x1  }
0x9b: {  	s6 =	simm.s32 $_scs_section_size  }
0x9c: {  	s7 =	simm.s32 $_size__tile_overlayer_lowered;
	s8 =	simm.s32 $_tile_overlayer_lowered  }
0x9d: {  	s23 =	simm.s32 $0x1BFF;
	s22 =	sshll.u32 s8, $0x1;
	s5 =	sadd.s32 s6, s20  }
0x9e: {  	s9 =	simm.s32 $0x0;
	s21 =	sshll.u32 s7, $0x1;
	s7 =	sadd.s32 s22, s5  }
0x9f: {  	[timem:s9], [sflag:s23] =	dma.local [hbm:s7], s21  }
0xa0: {  	_ =	swait.ge [sflag:s23], s21  }
0xa1: {  	s6 =	ssub.s32 $0x0, s21;
	[sflag:s23] =	ssyncset.done $0x0  }
0xa2: {  	[sflag:s23] =	ssyncadd.s32 s6;
	_ =	sdelay $0x1  }
0xa3: {  	s24 =	simm.s32 $0x1B8B  }
0xa4: {  	_ =	swait.ge [sflag:s24], $0x1  }
0xa5: {  	[sflag:s24] =	ssyncset.done $0x0  }
0xa6: {  	s25 =	simm.s32 $0x1B8E;
	[sflag:s24] =	ssyncadd.s32 $0xFFFFFFFF  }
0xa7: {  	s26 =	simm.s32 $execute0_lowered;
	[smem:$0x3FD2] =	sst s25  }
0xa8: {  	s6 =	sshll.u32 s26, $0x1;
	_ =	strace $0x80000046;
	[dreg:$0x1] =	wrdreg $0xFFFFFFFF  }
0xa9: {  	s28 =	simm.s32 $_size_execute0_lowered;
	s5 =	sadd.s32 s5, s6;
	[dreg:$0x0] =	wrdreg $0x0  }
0xaa: {  	s6 =	sshll.u32 s28, $0x1;
	[dreg:$0x2] =	wrdreg s5  }
0xab: {  	[dreg:$0x3] =	wrdreg s6  }
0xac: {  	[dreg:$0x4] =	wrdreg $0xC0  }
0xad: {  	_ =	task [dreg:s9], $0x5FFFF  }
0xae: {  	[dreg:$0x1] =	wrdreg $0xFFFFFFFF  }
0xaf: {  	[dreg:$0x0] =	wrdreg $0x60  }
0xb0: {  	[dreg:$0x2] =	wrdreg s2  }
0xb1: {  	[dreg:$0x3] =	wrdreg s19  }
0xb2: {  	[dreg:$0x4] =	wrdreg s4  }
0xb3: {  	[dreg:$0x5] =	wrdreg $0x9  }
0xb4: {  	_ =	task.clear_ibuf [dreg:s9], $0x6FFFF;
	_ =	strace $0x90000046  }
0xb5: {  	s29 =	simm.s32 $0x9;
	_ =	strace $0x80000048  }
0xb6: {  	_ =	swait.ge [sflag:s29], $0x1  }
0xb7: {  	[sflag:s29] =	ssyncadd.s32 $0xFFFFFFFF  }
0xb8: {  	_ =	strace $0x90000048  }
0xb9: {  	_ =	sfence  }
0xba: {  	s30 =	sld [smem:$0x0];
	_ =	sdelay $0x2  }
0xbb: {  	s31 =	sshll.u32 s1, $0xD;
	s1 =	sshrl.u32 s1, $0x2  }
0xbc: {  	s3 =	sand.u32 $0x4000, s31;
	s1 =	sadd.s32 s1, s30  }
0xbd: {  	s0 =	sor.u32 s3, s0;
	s1 =	sshll.u32 s1, $0x11  }
0xbe: {  	s0 =	sor.u32 s1, s0  }
0xbf: {  	s0 =	sadd.s32 $0x8F2B, s0  }
0xc0: {  	[sflag:s0] =	ssyncadd.remote.s32 $0x1  }
0xc1: {  	_ =	sfence.sel $0xFFFF  }
0xc2: {  	[dreg:$0x0] =	wrdreg $0xFFFFFFFF;
	(pc) =	sbr.abs _section_cstart, $3  }
0xc3: {  	[dreg:$0x1] =	wrdreg $0xFFFFFFFF  }
0xc4: {  	_ =	task.clear_ibuf [dreg:s9], $0x2FFFF;
	_ =	strace $0x9FFFFFFF  }
0xc5: {  	(tm) =	ssettm $0x7FFFFFFF  }
tec
execute0_lowered:
.L_overlay_start_1:
0x0: {  	(tag) =	ssettag $0x1  }
0x1: {  	s1 =	rddreg [dreg:$0x0]  }
0x2: {  	s9 =	rddreg [dreg:$0x1]  }
0x3: {  	s11 =	rddreg [dreg:$0x2]  }
0x4: {  	s0 =	rddreg [dreg:$0x3];
	s3 =	simm.s32 $0x0;
	s4 =	srdreg.scid  }
0x5: {  	s2 =	stileid.u32;
	s15 =	simm.s32 $0x5;
	s16 =	simm.s32 $0x6800  }
0x6: {  	s17 =	simm.s32 $0x1;
	s18 =	simm.s32 $0xCC00;
	s19 =	simm.s32 $0x2  }
0x7: {  	s20 =	simm.s32 $0x13000;
	s21 =	simm.s32 $0x3;
	s22 =	simm.s32 $0x4  }
0x8: {  	s23 =	simm.s32 $0x0;
	[smem:$0x7FF] =	sst s3;
	s4 =	sand.u32 $0x1, s4  }
0x9: {  	s6 =	sshll.u32 s2, $0xA;
	s5 =	ssub.s32 $0x2, s4;
	s4 =	sshll.u32 s4, $0x9  }
0xa: {  	_ =	strace $0x80000047;
	s7 =	sshrl.u32 s5, $0x1;
	s10 =	sor.u32 s4, s6  }
0xb: {  	s12 =	ssub.s32 s5, s7;
	s4 =	sadd.s32 s9, s10;
	s8 =	sor.u32 $0x80, s10  }
0xc: {  	s6 =	sadd.s32 s11, s10;
	s13 =	sor.u32 $0x100, s10;
	s14 =	sor.u32 $0x180, s10  }
0xd: {  	s5 =	sadd.s32 s9, s8;
	s7 =	sadd.s32 s9, s13;
	s8 =	sadd.s32 s11, s8  }
0xe: {  	s9 =	sadd.s32 s9, s14;
	s10 =	sadd.s32 s11, s13;
	s11 =	sadd.s32 s11, s14  }
0xf: {  	s12 =	smax.u32 s12, $0x1;
	s13 =	simm.s32 $0x20000;
	s14 =	simm.s32 $0x400  }
.LBB2_1:
0x10: {  	[tilespmem:s14], [sflag:$0x1] =	stream.strided.gather [hbm4b:s4+s14], $0x6400, s13, s14, $0x38;
	[tilespmem:$0x19400] =	vst v63  }
0x11: {  	_ = 	snop  }
0x12: {  	[tilespmem:s3], [sflag:$0x5] =	stream.linear.gather [hbm4b:s1+s3], $0x400, $0x38;
	[tilespmem:$0x19400] =	vst v63  }
0x13: {  	_ =	swait.ge [sflag:s15], $0x400  }
0x14: {  	[sflag:s15] =	ssyncset.done $0x0  }
0x15: {  	s24 =	simm.s32 $0x0;
	s25 =	simm.s32 $0x40;
	[sflag:s15] =	ssyncadd.s32 $0xFFFFFC00  }
.LBB2_2:
0x16: {  	p0 =	sne.s32 s25, $0xFC0;
	v0 =	vld [tilespmem:s24+$0x0];
	_ =	sdelay $0x4  }
0x17: {  	v0 =	vmul.f32 $1.442695020e+00, v0;
	_ =	sdelay $0x1  }
0x18: {  	(erf) = vpow2.f32 v0;
	_ =	sdelay $0x5  }
.Ltmp0:
0x19: {  	(pc) =	sbr.rel @p0 .LBB2_2-.Ltmp0, $3  }
0x1a: {  	_ =	sdelay $0x1  }
0x1b: {  	v0 =	vpop (erf)  }
0x1c: {  	[tilespmem:s24+$0x0] =	vst v0;
	s24 =	sshra.s32 s25, $0x2;
	s25 =	sadd.s32 $0x40, s25  }
0x1d: {  	v0 =	vld [tilespmem:s24+$0x0];
	_ =	sdelay $0x4  }
0x1e: {  	v0 =	vmul.f32 $1.442695020e+00, v0;
	_ =	sdelay $0x1  }
0x1f: {  	(erf) = vpow2.f32 v0;
	_ =	sdelay $0x8  }
0x20: {  	v0 =	vpop (erf)  }
0x21: {  	[tilespmem:s24+$0x0] =	vst v0  }
0x22: {  	[tilespmem:s16], [sflag:$0x2] =	stream.strided.gather [hbm4b:s5+s14], $0x6400, s13, s14, $0x38;
	[tilespmem:$0x19400] =	vst v63  }
0x23: {  	_ =	swait.ge [sflag:s17], $0x6400  }
0x24: {  	[sflag:s17] =	ssyncset.done $0x0  }
0x25: {  	s28 =	simm.s32 $0x500;
	[sflag:s17] =	ssyncadd.s32 $0xFFFF9C00  }
0x26: {  	v0 =	vld [tilespmem:s28+$0x80]  }
0x27: {  	v1 =	vld [tilespmem:s28+$0xFFFFFF80]  }
0x28: {  	v2 =	vld [tilespmem:s28+$0x0];
	_ =	sdelay $0x2  }
0x29: {  	v3 =	vld [tilespmem:s28+$0xFFFFFF00];
	_ =	sdelay $0x2  }
0x2a: {  	v0 =	vld.idx.msk [tilespmem:v0+s3+$0x0], $0xffff  }
0x2b: {  	v1 =	vld.idx.msk [tilespmem:v1+s3+$0x0], $0xffff  }
0x2c: {  	v2 =	vld.idx.msk [tilespmem:v2+s3+$0x0], $0xffff;
	_ =	sdelay $0x1  }
0x2d: {  	s24 =	simm.s32 $0xCD00  }
0x2e: {  	v3 =	vld.idx.msk [tilespmem:v3+s3+$0x0], $0xffff;
	[tilespmem:s24+$0x80] =	vst v0  }
0x2f: {  	[tilespmem:s24+$0xFFFFFF80] =	vst v1;
	v0 =	vld [tilespmem:s28+$0x90]  }
0x30: {  	[tilespmem:s24+$0x0] =	vst v2;
	v1 =	vld [tilespmem:s28+$0xFFFFFF90]  }
0x31: {  	v2 =	vld [tilespmem:s28+$0x10];
	_ =	sdelay $0x1  }
0x32: {  	[tilespmem:s24+$0xFFFFFF00] =	vst v3  }
0x33: {  	v3 =	vld [tilespmem:s28+$0xFFFFFF10];
	_ =	sdelay $0x2  }
0x34: {  	v0 =	vld.idx.msk [tilespmem:v0+s3+$0x0], $0xffff  }
0x35: {  	v1 =	vld.idx.msk [tilespmem:v1+s3+$0x0], $0xffff  }
0x36: {  	v2 =	vld.idx.msk [tilespmem:v2+s3+$0x0], $0xffff;
	_ =	sdelay $0x2  }
0x37: {  	v3 =	vld.idx.msk [tilespmem:v3+s3+$0x0], $0xffff;
	[tilespmem:s24+$0x90] =	vst v0  }
0x38: {  	[tilespmem:s24+$0xFFFFFF90] =	vst v1;
	v0 =	vld [tilespmem:s28+$0xA0]  }
0x39: {  	[tilespmem:s24+$0x10] =	vst v2;
	v1 =	vld [tilespmem:s28+$0xFFFFFFA0]  }
0x3a: {  	v2 =	vld [tilespmem:s28+$0x20];
	_ =	sdelay $0x1  }
0x3b: {  	[tilespmem:s24+$0xFFFFFF10] =	vst v3  }
0x3c: {  	v3 =	vld [tilespmem:s28+$0xFFFFFF20]  }
0x3d: {  	s25 =	simm.s32 $0x700  }
0x3e: {  	v4 =	vld [tilespmem:s25+$0x80]  }
0x3f: {  	v0 =	vld.idx.msk [tilespmem:v0+s3+$0x0], $0xffff  }
0x40: {  	v1 =	vld.idx.msk [tilespmem:v1+s3+$0x0], $0xffff  }
0x41: {  	v2 =	vld.idx.msk [tilespmem:v2+s3+$0x0], $0xffff;
	_ =	sdelay $0x1  }
0x42: {  	v5 =	vld [tilespmem:s25+$0xFFFFFF80]  }
0x43: {  	v3 =	vld.idx.msk [tilespmem:v3+s3+$0x0], $0xffff;
	[tilespmem:s24+$0xA0] =	vst v0  }
0x44: {  	[tilespmem:s24+$0xFFFFFFA0] =	vst v1;
	v0 =	vld [tilespmem:s28+$0xB0]  }
0x45: {  	[tilespmem:s24+$0x20] =	vst v2;
	v1 =	vld [tilespmem:s28+$0xFFFFFFB0]  }
0x46: {  	v2 =	vld [tilespmem:s28+$0x30];
	_ =	sdelay $0x1  }
0x47: {  	v4 =	vld.idx.msk [tilespmem:v4+s3+$0x0], $0xffff;
	[tilespmem:s24+$0xFFFFFF20] =	vst v3  }
0x48: {  	v3 =	vld [tilespmem:s28+$0xFFFFFF30]  }
0x49: {  	v5 =	vld.idx.msk [tilespmem:v5+s3+$0x0], $0xffff  }
0x4a: {  	v6 =	vld [tilespmem:s25+$0x0]  }
0x4b: {  	v0 =	vld.idx.msk [tilespmem:v0+s3+$0x0], $0xffff  }
0x4c: {  	s26 =	simm.s32 $0xCF00;
	v1 =	vld.idx.msk [tilespmem:v1+s3+$0x0], $0xffff  }
0x4d: {  	[tilespmem:s26+$0x80] =	vst v4;
	v2 =	vld.idx.msk [tilespmem:v2+s3+$0x0], $0xffff  }
0x4e: {  	[tilespmem:s26+$0xFFFFFF80] =	vst v5;
	v4 =	vld [tilespmem:s25+$0x90]  }
0x4f: {  	v5 =	vld [tilespmem:s25+$0xFFFFFF90]  }
0x50: {  	v3 =	vld.idx.msk [tilespmem:v3+s3+$0x0], $0xffff;
	[tilespmem:s24+$0xB0] =	vst v0  }
0x51: {  	[tilespmem:s24+$0xFFFFFFB0] =	vst v1;
	v0 =	vld [tilespmem:s28+$0xC0]  }
0x52: {  	[tilespmem:s24+$0x30] =	vst v2;
	v1 =	vld [tilespmem:s28+$0xFFFFFFC0]  }
0x53: {  	v2 =	vld [tilespmem:s28+$0x40]  }
0x54: {  	v7 =	vld [tilespmem:s25+$0xFFFFFF00]  }
0x55: {  	v6 =	vld.idx.msk [tilespmem:v6+s3+$0x0], $0xffff  }
0x56: {  	v4 =	vld.idx.msk [tilespmem:v4+s3+$0x0], $0xffff;
	[tilespmem:s24+$0xFFFFFF30] =	vst v3  }
0x57: {  	v3 =	vld [tilespmem:s28+$0xFFFFFF40]  }
0x58: {  	v5 =	vld.idx.msk [tilespmem:v5+s3+$0x0], $0xffff  }
0x59: {  	v0 =	vld.idx.msk [tilespmem:v0+s3+$0x0], $0xffff  }
0x5a: {  	v1 =	vld.idx.msk [tilespmem:v1+s3+$0x0], $0xffff  }
0x5b: {  	[tilespmem:s26+$0x0] =	vst v6;
	v2 =	vld.idx.msk [tilespmem:v2+s3+$0x0], $0xffff  }
0x5c: {  	[tilespmem:s26+$0x90] =	vst v4  }
0x5d: {  	v7 =	vld.idx.msk [tilespmem:v7+s3+$0x0], $0xffff;
	[tilespmem:s26+$0xFFFFFF90] =	vst v5  }
0x5e: {  	v5 =	vld [tilespmem:s25+$0xA0];
	[tilespmem:s24+$0xC0] =	vst v0  }
0x5f: {  	[tilespmem:s24+$0xFFFFFFC0] =	vst v1;
	v1 =	vld.idx.msk [tilespmem:v3+s3+$0x0], $0xffff  }
0x60: {  	[tilespmem:s24+$0x40] =	vst v2;
	v2 =	vld [tilespmem:s25+$0x10]  }
0x61: {  	v0 =	vld [tilespmem:s28+$0xD0]  }
0x62: {  	v3 =	vld [tilespmem:s28+$0xFFFFFFD0]  }
0x63: {  	[tilespmem:s26+$0xFFFFFF00] =	vst v7;
	v6 =	vld [tilespmem:s28+$0x50]  }
0x64: {  	[tilespmem:s24+$0xFFFFFF40] =	vst v1;
	v1 =	vld [tilespmem:s25+$0xFFFFFF10]  }
0x65: {  	v7 =	vld [tilespmem:s28+$0xFFFFFF50];
	_ =	sdelay $0x1  }
0x66: {  	v5 =	vld.idx.msk [tilespmem:v5+s3+$0x0], $0xffff  }
0x67: {  	v2 =	vld.idx.msk [tilespmem:v2+s3+$0x0], $0xffff  }
0x68: {  	v0 =	vld.idx.msk [tilespmem:v0+s3+$0x0], $0xffff  }
0x69: {  	v3 =	vld.idx.msk [tilespmem:v3+s3+$0x0], $0xffff  }
0x6a: {  	v6 =	vld.idx.msk [tilespmem:v6+s3+$0x0], $0xffff  }
0x6b: {  	v1 =	vld.idx.msk [tilespmem:v1+s3+$0x0], $0xffff  }
0x6c: {  	v4 =	vld.idx.msk [tilespmem:v7+s3+$0x0], $0xffff  }
0x6d: {  	[tilespmem:s26+$0x10] =	vst v2;
	v7 =	vld [tilespmem:s25+$0xFFFFFFA0]  }
0x6e: {  	[tilespmem:s24+$0xD0] =	vst v0;
	v2 =	vld [tilespmem:s25+$0x20]  }
0x6f: {  	[tilespmem:s24+$0xFFFFFFD0] =	vst v3;
	v0 =	vld [tilespmem:s28+$0xE0]  }
0x70: {  	v3 =	vld [tilespmem:s28+$0xFFFFFFE0];
	[tilespmem:s26+$0xFFFFFF10] =	vst v1  }
0x71: {  	v1 =	vld [tilespmem:s25+$0xFFFFFF20];
	[tilespmem:s24+$0xFFFFFF50] =	vst v4  }
0x72: {  	[tilespmem:s26+$0xA0] =	vst v5;
	v4 =	vld [tilespmem:s28+$0xFFFFFF60]  }
0x73: {  	v5 =	vld [tilespmem:s25+$0xB0];
	[tilespmem:s24+$0x50] =	vst v6  }
0x74: {  	v6 =	vld [tilespmem:s28+$0x60]  }
0x75: {  	v7 =	vld.idx.msk [tilespmem:v7+s3+$0x0], $0xffff  }
0x76: {  	v2 =	vld.idx.msk [tilespmem:v2+s3+$0x0], $0xffff  }
0x77: {  	v0 =	vld.idx.msk [tilespmem:v0+s3+$0x0], $0xffff  }
0x78: {  	v3 =	vld.idx.msk [tilespmem:v3+s3+$0x0], $0xffff  }
0x79: {  	v1 =	vld.idx.msk [tilespmem:v1+s3+$0x0], $0xffff  }
0x7a: {  	[tilespmem:s26+$0xFFFFFFA0] =	vst v7;
	v4 =	vld.idx.msk [tilespmem:v4+s3+$0x0], $0xffff  }
0x7b: {  	[tilespmem:s26+$0x20] =	vst v2;
	v7 =	vld [tilespmem:s25+$0xFFFFFFB0]  }
0x7c: {  	[tilespmem:s24+$0xE0] =	vst v0;
	v2 =	vld [tilespmem:s25+$0x30]  }
0x7d: {  	v0 =	vld [tilespmem:s28+$0xF0]  }
0x7e: {  	v6 =	vld.idx.msk [tilespmem:v6+s3+$0x0], $0xffff;
	[tilespmem:s26+$0xFFFFFF20] =	vst v1  }
0x7f: {  	[tilespmem:s24+$0xFFFFFFE0] =	vst v3;
	v1 =	vld [tilespmem:s25+$0xFFFFFF30]  }
0x80: {  	v3 =	vld.idx.msk [tilespmem:v5+s3+$0x0], $0xffff;
	[tilespmem:s24+$0xFFFFFF60] =	vst v4  }
0x81: {  	v4 =	vld [tilespmem:s28+$0xFFFFFF70]  }
0x82: {  	v9 =	vld [tilespmem:s28+$0xFFFFFFF0]  }
0x83: {  	v5 =	vld.idx.msk [tilespmem:v7+s3+$0x0], $0xffff  }
0x84: {  	v2 =	vld.idx.msk [tilespmem:v2+s3+$0x0], $0xffff  }
0x85: {  	[tilespmem:s24+$0x60] =	vst v6;
	v8 =	vld.idx.msk [tilespmem:v0+s3+$0x0], $0xffff  }
0x86: {  	v0 =	vld [tilespmem:s28+$0x70]  }
0x87: {  	[tilespmem:s26+$0xB0] =	vst v3;
	v6 =	vld.idx.msk [tilespmem:v1+s3+$0x0], $0xffff  }
0x88: {  	[tilespmem:s26+$0xFFFFFFB0] =	vst v5;
	v5 =	vld [tilespmem:s25+$0xC0]  }
0x89: {  	v1 =	vld.idx.msk [tilespmem:v4+s3+$0x0], $0xffff  }
0x8a: {  	[tilespmem:s26+$0x30] =	vst v2;
	v2 =	vld.idx.msk [tilespmem:v9+s3+$0x0], $0xffff  }
0x8b: {  	v3 =	vld [tilespmem:s25+$0xFFFFFFC0]  }
0x8c: {  	s29 =	simm.s32 $0x4;
	s30 =	simm.s32 $0x900;
	s28 =	simm.s32 $0xCF00;
	v4 =	vld [tilespmem:s25+$0x40];
	[tilespmem:s24+$0xF0] =	vst v8  }
.LBB2_4:
0x8d: {  	v7 =	vld [tilespmem:s30+$0x80];
	s29 =	sadd.s32 $0x4, s29;
	[tilespmem:s26+$0xFFFFFF30] =	vst v6  }
0x8e: {  	v6 =	vld [tilespmem:s30+$0xFFFFFF80];
	p0 =	slt.u32 s29, $0xC4;
	[tilespmem:s24+$0xFFFFFF70] =	vst v1  }
0x8f: {  	v1 =	vld [tilespmem:s30+$0x0]  }
0x90: {  	v8 =	vld [tilespmem:s30+$0xFFFFFF00]  }
0x91: {  	v5 =	vld.idx.msk [tilespmem:v5+s3+$0x0], $0xffff  }
0x92: {  	v9 =	vld [tilespmem:s25+$0xFFFFFF40];
	[tilespmem:s24+$0xFFFFFFF0] =	vst v2  }
0x93: {  	v2 =	vld.idx.msk [tilespmem:v3+s3+$0x0], $0xffff  }
0x94: {  	v3 =	vld.idx.msk [tilespmem:v4+s3+$0x0], $0xffff  }
0x95: {  	v4 =	vld.idx.msk [tilespmem:v7+s3+$0x0], $0xffff  }
0x96: {  	v6 =	vld.idx.msk [tilespmem:v6+s3+$0x0], $0xffff  }
0x97: {  	v1 =	vld.idx.msk [tilespmem:v1+s3+$0x0], $0xffff;
	[tilespmem:s26+$0xC0] =	vst v5  }
0x98: {  	v5 =	vld [tilespmem:s25+$0xD0]  }
0x99: {  	v7 =	vld.idx.msk [tilespmem:v8+s3+$0x0], $0xffff;
	[tilespmem:s26+$0xFFFFFFC0] =	vst v2  }
0x9a: {  	s26 =	sadd.s32 $0x200, s26;
	v2 =	vld.idx.msk [tilespmem:v9+s3+$0x0], $0xffff;
	[tilespmem:s28+$0x40] =	vst v3  }
0x9b: {  	[tilespmem:s26+$0x80] =	vst v4;
	v3 =	vld [tilespmem:s25+$0xFFFFFFD0]  }
0x9c: {  	[tilespmem:s26+$0xFFFFFF80] =	vst v6;
	v4 =	vld [tilespmem:s30+$0x90]  }
0x9d: {  	v6 =	vld [tilespmem:s30+$0xFFFFFF90];
	[tilespmem:s26+$0x0] =	vst v1  }
0x9e: {  	v1 =	vld [tilespmem:s30+$0x10]  }
0x9f: {  	[tilespmem:s26+$0xFFFFFF00] =	vst v7;
	v7 =	vld [tilespmem:s25+$0x50]  }
0xa0: {  	[tilespmem:s28+$0xFFFFFF40] =	vst v2;
	v2 =	vld.idx.msk [tilespmem:v5+s3+$0x0], $0xffff  }
0xa1: {  	v5 =	vld [tilespmem:s30+$0xFFFFFF10]  }
0xa2: {  	v8 =	vld [tilespmem:s25+$0xFFFFFF50]  }
0xa3: {  	v3 =	vld.idx.msk [tilespmem:v3+s3+$0x0], $0xffff  }
0xa4: {  	v4 =	vld.idx.msk [tilespmem:v4+s3+$0x0], $0xffff  }
0xa5: {  	v6 =	vld.idx.msk [tilespmem:v6+s3+$0x0], $0xffff  }
0xa6: {  	v1 =	vld.idx.msk [tilespmem:v1+s3+$0x0], $0xffff;
	[tilespmem:s28+$0xD0] =	vst v2  }
0xa7: {  	v2 =	vld [tilespmem:s25+$0xE0]  }
0xa8: {  	v7 =	vld.idx.msk [tilespmem:v7+s3+$0x0], $0xffff  }
0xa9: {  	v5 =	vld.idx.msk [tilespmem:v5+s3+$0x0], $0xffff;
	[tilespmem:s28+$0xFFFFFFD0] =	vst v3  }
0xaa: {  	[tilespmem:s26+$0x90] =	vst v4;
	v3 =	vld.idx.msk [tilespmem:v8+s3+$0x0], $0xffff  }
0xab: {  	[tilespmem:s26+$0xFFFFFF90] =	vst v6;
	v4 =	vld [tilespmem:s30+$0xA0]  }
0xac: {  	v6 =	vld [tilespmem:s30+$0xFFFFFFA0];
	[tilespmem:s26+$0x10] =	vst v1  }
0xad: {  	v1 =	vld [tilespmem:s30+$0x20]  }
0xae: {  	v8 =	vld [tilespmem:s25+$0xFFFFFFE0];
	[tilespmem:s28+$0x50] =	vst v7  }
0xaf: {  	[tilespmem:s26+$0xFFFFFF10] =	vst v5;
	v2 =	vld.idx.msk [tilespmem:v2+s3+$0x0], $0xffff  }
0xb0: {  	v5 =	vld [tilespmem:s30+$0xFFFFFF20];
	[tilespmem:s28+$0xFFFFFF50] =	vst v3  }
0xb1: {  	v3 =	vld [tilespmem:s25+$0xFFFFFF60]  }
0xb2: {  	v7 =	vld [tilespmem:s25+$0x60]  }
0xb3: {  	v4 =	vld.idx.msk [tilespmem:v4+s3+$0x0], $0xffff  }
0xb4: {  	v6 =	vld.idx.msk [tilespmem:v6+s3+$0x0], $0xffff  }
0xb5: {  	v1 =	vld.idx.msk [tilespmem:v1+s3+$0x0], $0xffff;
	[tilespmem:s28+$0xE0] =	vst v2  }
0xb6: {  	v2 =	vld [tilespmem:s25+$0xF0]  }
0xb7: {  	v8 =	vld.idx.msk [tilespmem:v8+s3+$0x0], $0xffff  }
0xb8: {  	v5 =	vld.idx.msk [tilespmem:v5+s3+$0x0], $0xffff  }
0xb9: {  	[tilespmem:s26+$0xA0] =	vst v4;
	v3 =	vld.idx.msk [tilespmem:v3+s3+$0x0], $0xffff  }
0xba: {  	[tilespmem:s26+$0xFFFFFFA0] =	vst v6;
	v4 =	vld [tilespmem:s30+$0xB0]  }
0xbb: {  	v6 =	vld [tilespmem:s30+$0xFFFFFFB0];
	[tilespmem:s26+$0x20] =	vst v1  }
0xbc: {  	v1 =	vld [tilespmem:s30+$0x30]  }
0xbd: {  	[tilespmem:s28+$0xFFFFFFE0] =	vst v8;
	v7 =	vld.idx.msk [tilespmem:v7+s3+$0x0], $0xffff  }
0xbe: {  	[tilespmem:s26+$0xFFFFFF20] =	vst v5;
	v2 =	vld.idx.msk [tilespmem:v2+s3+$0x0], $0xffff  }
0xbf: {  	v5 =	vld [tilespmem:s30+$0xFFFFFF30];
	[tilespmem:s28+$0xFFFFFF60] =	vst v3  }
0xc0: {  	v3 =	vld [tilespmem:s25+$0xFFFFFF70]  }
0xc1: {  	v8 =	vld [tilespmem:s25+$0xFFFFFFF0]  }
0xc2: {  	v4 =	vld.idx.msk [tilespmem:v4+s3+$0x0], $0xffff  }
0xc3: {  	v9 =	vld.idx.msk [tilespmem:v6+s3+$0x0], $0xffff;
	[tilespmem:s28+$0x60] =	vst v7  }
0xc4: {  	v7 =	vld.idx.msk [tilespmem:v1+s3+$0x0], $0xffff;
	[tilespmem:s28+$0xF0] =	vst v2  }
0xc5: {  	v2 =	vld [tilespmem:s25+$0x70];
	s25 =	smov.u32 s30  }
0xc6: {  	v10 =	vld.idx.msk [tilespmem:v0+s3+$0x0], $0xffff  }
0xc7: {  	v6 =	vld.idx.msk [tilespmem:v5+s3+$0x0], $0xffff  }
.Ltmp1:
0xc8: {  	[tilespmem:s26+$0xB0] =	vst v4;
	v1 =	vld.idx.msk [tilespmem:v3+s3+$0x0], $0xffff;
	(pc) =	sbr.rel @p0 .LBB2_4-.Ltmp1, $4  }
0xc9: {  	[tilespmem:s26+$0xFFFFFFB0] =	vst v9;
	v5 =	vld [tilespmem:s30+$0xC0]  }
0xca: {  	v3 =	vld [tilespmem:s30+$0xFFFFFFC0];
	[tilespmem:s26+$0x30] =	vst v7;
	v0 =	vmov v2  }
0xcb: {  	v4 =	vld [tilespmem:s30+$0x40]  }
0xcc: {  	s30 =	sadd.s32 $0x200, s30;
	v2 =	vld.idx.msk [tilespmem:v8+s3+$0x0], $0xffff;
	[tilespmem:s24+$0x70] =	vst v10;
	s24 =	smov.u32 s28;
	s28 =	smov.u32 s26  }
0xcd: {  	[tilespmem:s26+$0xFFFFFF30] =	vst v6  }
0xce: {  	v6 =	vld [tilespmem:s25+$0xFFFFFF40];
	_ =	sdelay $0x4  }
0xcf: {  	v5 =	vld.idx.msk [tilespmem:v5+s3+$0x0], $0xffff  }
0xd0: {  	v3 =	vld.idx.msk [tilespmem:v3+s3+$0x0], $0xffff  }
0xd1: {  	v4 =	vld.idx.msk [tilespmem:v4+s3+$0x0], $0xffff  }
0xd2: {  	v6 =	vld.idx.msk [tilespmem:v6+s3+$0x0], $0xffff;
	_ =	sdelay $0x1  }
0xd3: {  	[tilespmem:s26+$0xC0] =	vst v5  }
0xd4: {  	v5 =	vld [tilespmem:s25+$0xD0];
	[tilespmem:s26+$0xFFFFFFC0] =	vst v3  }
0xd5: {  	[tilespmem:s28+$0x40] =	vst v4;
	v4 =	vld [tilespmem:s25+$0xFFFFFFD0]  }
0xd6: {  	[tilespmem:s28+$0xFFFFFF40] =	vst v6;
	v6 =	vld [tilespmem:s25+$0x50]  }
0xd7: {  	v3 =	vld [tilespmem:s25+$0xFFFFFF50];
	_ =	sdelay $0x4  }
0xd8: {  	v5 =	vld.idx.msk [tilespmem:v5+s3+$0x0], $0xffff  }
0xd9: {  	v4 =	vld.idx.msk [tilespmem:v4+s3+$0x0], $0xffff  }
0xda: {  	v6 =	vld.idx.msk [tilespmem:v6+s3+$0x0], $0xffff  }
0xdb: {  	v3 =	vld.idx.msk [tilespmem:v3+s3+$0x0], $0xffff;
	_ =	sdelay $0x1  }
0xdc: {  	[tilespmem:s28+$0xD0] =	vst v5  }
0xdd: {  	v5 =	vld [tilespmem:s25+$0xE0];
	[tilespmem:s28+$0xFFFFFFD0] =	vst v4  }
0xde: {  	v4 =	vld [tilespmem:s25+$0xFFFFFFE0];
	[tilespmem:s28+$0x50] =	vst v6  }
0xdf: {  	[tilespmem:s28+$0xFFFFFF50] =	vst v3;
	v6 =	vld [tilespmem:s25+$0x60]  }
0xe0: {  	v3 =	vld [tilespmem:s25+$0xFFFFFF60];
	_ =	sdelay $0x4  }
0xe1: {  	v5 =	vld.idx.msk [tilespmem:v5+s3+$0x0], $0xffff  }
0xe2: {  	v4 =	vld.idx.msk [tilespmem:v4+s3+$0x0], $0xffff  }
0xe3: {  	v6 =	vld.idx.msk [tilespmem:v6+s3+$0x0], $0xffff  }
0xe4: {  	v3 =	vld.idx.msk [tilespmem:v3+s3+$0x0], $0xffff;
	_ =	sdelay $0x1  }
0xe5: {  	[tilespmem:s28+$0xE0] =	vst v5  }
0xe6: {  	v5 =	vld [tilespmem:s25+$0xF0];
	[tilespmem:s28+$0xFFFFFFE0] =	vst v4  }
0xe7: {  	v4 =	vld [tilespmem:s25+$0xFFFFFFF0];
	[tilespmem:s28+$0x60] =	vst v6  }
0xe8: {  	[tilespmem:s28+$0xFFFFFF60] =	vst v3;
	v6 =	vld [tilespmem:s25+$0x70]  }
0xe9: {  	v3 =	vld [tilespmem:s25+$0xFFFFFF70];
	_ =	sdelay $0x3  }
0xea: {  	v0 =	vld.idx.msk [tilespmem:v0+s3+$0x0], $0xffff  }
0xeb: {  	v5 =	vld.idx.msk [tilespmem:v5+s3+$0x0], $0xffff  }
0xec: {  	[tilespmem:s24+$0xFFFFFF70] =	vst v1;
	v1 =	vld.idx.msk [tilespmem:v4+s3+$0x0], $0xffff  }
0xed: {  	[tilespmem:s24+$0xFFFFFFF0] =	vst v2;
	v2 =	vld.idx.msk [tilespmem:v6+s3+$0x0], $0xffff  }
0xee: {  	v3 =	vld.idx.msk [tilespmem:v3+s3+$0x0], $0xffff  }
0xef: {  	[tilespmem:s24+$0x70] =	vst v0  }
0xf0: {  	[tilespmem:s28+$0xF0] =	vst v5  }
0xf1: {  	[tilespmem:s28+$0xFFFFFFF0] =	vst v1  }
0xf2: {  	[tilespmem:s28+$0x70] =	vst v2  }
0xf3: {  	[tilespmem:s28+$0xFFFFFF70] =	vst v3  }
0xf4: {  	[hbm4b:s6+s14] =	stream.strided.scatter [tilespmem:s18], [sflag:$0x3], $0x6400, s13, s14, $0x38;
	[tilespmem:$0x19400] =	vst v63  }
0xf5: {  	_ = 	snop  }
0xf6: {  	[tilespmem:s14], [sflag:$0x1] =	stream.strided.gather [hbm4b:s7+s14], $0x6400, s13, s14, $0x38;
	[tilespmem:$0x19400] =	vst v63  }
0xf7: {  	_ =	swait.ge [sflag:s19], $0x6400  }
0xf8: {  	[sflag:s19] =	ssyncset.done $0x0  }
0xf9: {  	s28 =	simm.s32 $0x6900;
	[sflag:s19] =	ssyncadd.s32 $0xFFFF9C00  }
0xfa: {  	v0 =	vld [tilespmem:s28+$0x80]  }
0xfb: {  	v1 =	vld [tilespmem:s28+$0xFFFFFF80]  }
0xfc: {  	v2 =	vld [tilespmem:s28+$0x0];
	_ =	sdelay $0x2  }
0xfd: {  	v3 =	vld [tilespmem:s28+$0xFFFFFF00];
	_ =	sdelay $0x2  }
0xfe: {  	v0 =	vld.idx.msk [tilespmem:v0+s3+$0x0], $0xffff  }
0xff: {  	v1 =	vld.idx.msk [tilespmem:v1+s3+$0x0], $0xffff  }
0x100: {  	v2 =	vld.idx.msk [tilespmem:v2+s3+$0x0], $0xffff;
	_ =	sdelay $0x1  }
0x101: {  	s24 =	simm.s32 $0x13100  }
0x102: {  	v3 =	vld.idx.msk [tilespmem:v3+s3+$0x0], $0xffff;
	[tilespmem:s24+$0x80] =	vst v0  }
0x103: {  	[tilespmem:s24+$0xFFFFFF80] =	vst v1;
	v0 =	vld [tilespmem:s28+$0x90]  }
0x104: {  	[tilespmem:s24+$0x0] =	vst v2;
	v1 =	vld [tilespmem:s28+$0xFFFFFF90]  }
0x105: {  	v2 =	vld [tilespmem:s28+$0x10];
	_ =	sdelay $0x1  }
0x106: {  	[tilespmem:s24+$0xFFFFFF00] =	vst v3  }
0x107: {  	v3 =	vld [tilespmem:s28+$0xFFFFFF10];
	_ =	sdelay $0x2  }
0x108: {  	v0 =	vld.idx.msk [tilespmem:v0+s3+$0x0], $0xffff  }
0x109: {  	v1 =	vld.idx.msk [tilespmem:v1+s3+$0x0], $0xffff  }
0x10a: {  	v2 =	vld.idx.msk [tilespmem:v2+s3+$0x0], $0xffff;
	_ =	sdelay $0x2  }
0x10b: {  	v3 =	vld.idx.msk [tilespmem:v3+s3+$0x0], $0xffff;
	[tilespmem:s24+$0x90] =	vst v0  }
0x10c: {  	[tilespmem:s24+$0xFFFFFF90] =	vst v1;
	v0 =	vld [tilespmem:s28+$0xA0]  }
0x10d: {  	[tilespmem:s24+$0x10] =	vst v2;
	v1 =	vld [tilespmem:s28+$0xFFFFFFA0]  }
0x10e: {  	v2 =	vld [tilespmem:s28+$0x20];
	_ =	sdelay $0x1  }
0x10f: {  	[tilespmem:s24+$0xFFFFFF10] =	vst v3  }
0x110: {  	v3 =	vld [tilespmem:s28+$0xFFFFFF20]  }
0x111: {  	s25 =	simm.s32 $0x6B00  }
0x112: {  	v4 =	vld [tilespmem:s25+$0x80]  }
0x113: {  	v0 =	vld.idx.msk [tilespmem:v0+s3+$0x0], $0xffff  }
0x114: {  	v1 =	vld.idx.msk [tilespmem:v1+s3+$0x0], $0xffff  }
0x115: {  	v2 =	vld.idx.msk [tilespmem:v2+s3+$0x0], $0xffff;
	_ =	sdelay $0x1  }
0x116: {  	v5 =	vld [tilespmem:s25+$0xFFFFFF80]  }
0x117: {  	v3 =	vld.idx.msk [tilespmem:v3+s3+$0x0], $0xffff;
	[tilespmem:s24+$0xA0] =	vst v0  }
0x118: {  	[tilespmem:s24+$0xFFFFFFA0] =	vst v1;
	v0 =	vld [tilespmem:s28+$0xB0]  }
0x119: {  	[tilespmem:s24+$0x20] =	vst v2;
	v1 =	vld [tilespmem:s28+$0xFFFFFFB0]  }
0x11a: {  	v2 =	vld [tilespmem:s28+$0x30];
	_ =	sdelay $0x1  }
0x11b: {  	v4 =	vld.idx.msk [tilespmem:v4+s3+$0x0], $0xffff;
	[tilespmem:s24+$0xFFFFFF20] =	vst v3  }
0x11c: {  	v3 =	vld [tilespmem:s28+$0xFFFFFF30]  }
0x11d: {  	v5 =	vld.idx.msk [tilespmem:v5+s3+$0x0], $0xffff  }
0x11e: {  	v6 =	vld [tilespmem:s25+$0x0]  }
0x11f: {  	v0 =	vld.idx.msk [tilespmem:v0+s3+$0x0], $0xffff  }
0x120: {  	s26 =	simm.s32 $0x13300;
	v1 =	vld.idx.msk [tilespmem:v1+s3+$0x0], $0xffff  }
0x121: {  	[tilespmem:s26+$0x80] =	vst v4;
	v2 =	vld.idx.msk [tilespmem:v2+s3+$0x0], $0xffff  }
0x122: {  	[tilespmem:s26+$0xFFFFFF80] =	vst v5;
	v4 =	vld [tilespmem:s25+$0x90]  }
0x123: {  	v5 =	vld [tilespmem:s25+$0xFFFFFF90]  }
0x124: {  	v3 =	vld.idx.msk [tilespmem:v3+s3+$0x0], $0xffff;
	[tilespmem:s24+$0xB0] =	vst v0  }
0x125: {  	[tilespmem:s24+$0xFFFFFFB0] =	vst v1;
	v0 =	vld [tilespmem:s28+$0xC0]  }
0x126: {  	[tilespmem:s24+$0x30] =	vst v2;
	v1 =	vld [tilespmem:s28+$0xFFFFFFC0]  }
0x127: {  	v2 =	vld [tilespmem:s28+$0x40]  }
0x128: {  	v7 =	vld [tilespmem:s25+$0xFFFFFF00]  }
0x129: {  	v6 =	vld.idx.msk [tilespmem:v6+s3+$0x0], $0xffff  }
0x12a: {  	v4 =	vld.idx.msk [tilespmem:v4+s3+$0x0], $0xffff;
	[tilespmem:s24+$0xFFFFFF30] =	vst v3  }
0x12b: {  	v3 =	vld [tilespmem:s28+$0xFFFFFF40]  }
0x12c: {  	v5 =	vld.idx.msk [tilespmem:v5+s3+$0x0], $0xffff  }
0x12d: {  	v0 =	vld.idx.msk [tilespmem:v0+s3+$0x0], $0xffff  }
0x12e: {  	v1 =	vld.idx.msk [tilespmem:v1+s3+$0x0], $0xffff  }
0x12f: {  	[tilespmem:s26+$0x0] =	vst v6;
	v2 =	vld.idx.msk [tilespmem:v2+s3+$0x0], $0xffff  }
0x130: {  	[tilespmem:s26+$0x90] =	vst v4  }
0x131: {  	v7 =	vld.idx.msk [tilespmem:v7+s3+$0x0], $0xffff;
	[tilespmem:s26+$0xFFFFFF90] =	vst v5  }
0x132: {  	v5 =	vld [tilespmem:s25+$0xA0];
	[tilespmem:s24+$0xC0] =	vst v0  }
0x133: {  	[tilespmem:s24+$0xFFFFFFC0] =	vst v1;
	v1 =	vld.idx.msk [tilespmem:v3+s3+$0x0], $0xffff  }
0x134: {  	[tilespmem:s24+$0x40] =	vst v2;
	v2 =	vld [tilespmem:s25+$0x10]  }
0x135: {  	v0 =	vld [tilespmem:s28+$0xD0]  }
0x136: {  	v3 =	vld [tilespmem:s28+$0xFFFFFFD0]  }
0x137: {  	[tilespmem:s26+$0xFFFFFF00] =	vst v7;
	v6 =	vld [tilespmem:s28+$0x50]  }
0x138: {  	[tilespmem:s24+$0xFFFFFF40] =	vst v1;
	v1 =	vld [tilespmem:s25+$0xFFFFFF10]  }
0x139: {  	v7 =	vld [tilespmem:s28+$0xFFFFFF50];
	_ =	sdelay $0x1  }
0x13a: {  	v5 =	vld.idx.msk [tilespmem:v5+s3+$0x0], $0xffff  }
0x13b: {  	v2 =	vld.idx.msk [tilespmem:v2+s3+$0x0], $0xffff  }
0x13c: {  	v0 =	vld.idx.msk [tilespmem:v0+s3+$0x0], $0xffff  }
0x13d: {  	v3 =	vld.idx.msk [tilespmem:v3+s3+$0x0], $0xffff  }
0x13e: {  	v6 =	vld.idx.msk [tilespmem:v6+s3+$0x0], $0xffff  }
0x13f: {  	v1 =	vld.idx.msk [tilespmem:v1+s3+$0x0], $0xffff  }
0x140: {  	v4 =	vld.idx.msk [tilespmem:v7+s3+$0x0], $0xffff  }
0x141: {  	[tilespmem:s26+$0x10] =	vst v2;
	v7 =	vld [tilespmem:s25+$0xFFFFFFA0]  }
0x142: {  	[tilespmem:s24+$0xD0] =	vst v0;
	v2 =	vld [tilespmem:s25+$0x20]  }
0x143: {  	[tilespmem:s24+$0xFFFFFFD0] =	vst v3;
	v0 =	vld [tilespmem:s28+$0xE0]  }
0x144: {  	v3 =	vld [tilespmem:s28+$0xFFFFFFE0];
	[tilespmem:s26+$0xFFFFFF10] =	vst v1  }
0x145: {  	v1 =	vld [tilespmem:s25+$0xFFFFFF20];
	[tilespmem:s24+$0xFFFFFF50] =	vst v4  }
0x146: {  	[tilespmem:s26+$0xA0] =	vst v5;
	v4 =	vld [tilespmem:s28+$0xFFFFFF60]  }
0x147: {  	v5 =	vld [tilespmem:s25+$0xB0];
	[tilespmem:s24+$0x50] =	vst v6  }
0x148: {  	v6 =	vld [tilespmem:s28+$0x60]  }
0x149: {  	v7 =	vld.idx.msk [tilespmem:v7+s3+$0x0], $0xffff  }
0x14a: {  	v2 =	vld.idx.msk [tilespmem:v2+s3+$0x0], $0xffff  }
0x14b: {  	v0 =	vld.idx.msk [tilespmem:v0+s3+$0x0], $0xffff  }
0x14c: {  	v3 =	vld.idx.msk [tilespmem:v3+s3+$0x0], $0xffff  }
0x14d: {  	v1 =	vld.idx.msk [tilespmem:v1+s3+$0x0], $0xffff  }
0x14e: {  	[tilespmem:s26+$0xFFFFFFA0] =	vst v7;
	v4 =	vld.idx.msk [tilespmem:v4+s3+$0x0], $0xffff  }
0x14f: {  	[tilespmem:s26+$0x20] =	vst v2;
	v7 =	vld [tilespmem:s25+$0xFFFFFFB0]  }
0x150: {  	[tilespmem:s24+$0xE0] =	vst v0;
	v2 =	vld [tilespmem:s25+$0x30]  }
0x151: {  	v0 =	vld [tilespmem:s28+$0xF0]  }
0x152: {  	v6 =	vld.idx.msk [tilespmem:v6+s3+$0x0], $0xffff;
	[tilespmem:s26+$0xFFFFFF20] =	vst v1  }
0x153: {  	[tilespmem:s24+$0xFFFFFFE0] =	vst v3;
	v1 =	vld [tilespmem:s25+$0xFFFFFF30]  }
0x154: {  	v3 =	vld.idx.msk [tilespmem:v5+s3+$0x0], $0xffff;
	[tilespmem:s24+$0xFFFFFF60] =	vst v4  }
0x155: {  	v4 =	vld [tilespmem:s28+$0xFFFFFF70]  }
0x156: {  	v9 =	vld [tilespmem:s28+$0xFFFFFFF0]  }
0x157: {  	v5 =	vld.idx.msk [tilespmem:v7+s3+$0x0], $0xffff  }
0x158: {  	v2 =	vld.idx.msk [tilespmem:v2+s3+$0x0], $0xffff  }
0x159: {  	[tilespmem:s24+$0x60] =	vst v6;
	v8 =	vld.idx.msk [tilespmem:v0+s3+$0x0], $0xffff  }
0x15a: {  	v0 =	vld [tilespmem:s28+$0x70]  }
0x15b: {  	[tilespmem:s26+$0xB0] =	vst v3;
	v6 =	vld.idx.msk [tilespmem:v1+s3+$0x0], $0xffff  }
0x15c: {  	[tilespmem:s26+$0xFFFFFFB0] =	vst v5;
	v5 =	vld [tilespmem:s25+$0xC0]  }
0x15d: {  	v1 =	vld.idx.msk [tilespmem:v4+s3+$0x0], $0xffff  }
0x15e: {  	[tilespmem:s26+$0x30] =	vst v2;
	v2 =	vld.idx.msk [tilespmem:v9+s3+$0x0], $0xffff  }
0x15f: {  	v3 =	vld [tilespmem:s25+$0xFFFFFFC0]  }
0x160: {  	s29 =	simm.s32 $0x4;
	s30 =	simm.s32 $0x6D00;
	s28 =	simm.s32 $0x13300;
	v4 =	vld [tilespmem:s25+$0x40];
	[tilespmem:s24+$0xF0] =	vst v8  }
.LBB2_6:
0x161: {  	v7 =	vld [tilespmem:s30+$0x80];
	s29 =	sadd.s32 $0x4, s29;
	[tilespmem:s26+$0xFFFFFF30] =	vst v6  }
0x162: {  	v6 =	vld [tilespmem:s30+$0xFFFFFF80];
	p0 =	slt.u32 s29, $0xC4;
	[tilespmem:s24+$0xFFFFFF70] =	vst v1  }
0x163: {  	v1 =	vld [tilespmem:s30+$0x0]  }
0x164: {  	v8 =	vld [tilespmem:s30+$0xFFFFFF00]  }
0x165: {  	v5 =	vld.idx.msk [tilespmem:v5+s3+$0x0], $0xffff  }
0x166: {  	v9 =	vld [tilespmem:s25+$0xFFFFFF40];
	[tilespmem:s24+$0xFFFFFFF0] =	vst v2  }
0x167: {  	v2 =	vld.idx.msk [tilespmem:v3+s3+$0x0], $0xffff  }
0x168: {  	v3 =	vld.idx.msk [tilespmem:v4+s3+$0x0], $0xffff  }
0x169: {  	v4 =	vld.idx.msk [tilespmem:v7+s3+$0x0], $0xffff  }
0x16a: {  	v6 =	vld.idx.msk [tilespmem:v6+s3+$0x0], $0xffff  }
0x16b: {  	v1 =	vld.idx.msk [tilespmem:v1+s3+$0x0], $0xffff;
	[tilespmem:s26+$0xC0] =	vst v5  }
0x16c: {  	v5 =	vld [tilespmem:s25+$0xD0]  }
0x16d: {  	v7 =	vld.idx.msk [tilespmem:v8+s3+$0x0], $0xffff;
	[tilespmem:s26+$0xFFFFFFC0] =	vst v2  }
0x16e: {  	s26 =	sadd.s32 $0x200, s26;
	v2 =	vld.idx.msk [tilespmem:v9+s3+$0x0], $0xffff;
	[tilespmem:s28+$0x40] =	vst v3  }
0x16f: {  	[tilespmem:s26+$0x80] =	vst v4;
	v3 =	vld [tilespmem:s25+$0xFFFFFFD0]  }
0x170: {  	[tilespmem:s26+$0xFFFFFF80] =	vst v6;
	v4 =	vld [tilespmem:s30+$0x90]  }
0x171: {  	v6 =	vld [tilespmem:s30+$0xFFFFFF90];
	[tilespmem:s26+$0x0] =	vst v1  }
0x172: {  	v1 =	vld [tilespmem:s30+$0x10]  }
0x173: {  	[tilespmem:s26+$0xFFFFFF00] =	vst v7;
	v7 =	vld [tilespmem:s25+$0x50]  }
0x174: {  	[tilespmem:s28+$0xFFFFFF40] =	vst v2;
	v2 =	vld.idx.msk [tilespmem:v5+s3+$0x0], $0xffff  }
0x175: {  	v5 =	vld [tilespmem:s30+$0xFFFFFF10]  }
0x176: {  	v8 =	vld [tilespmem:s25+$0xFFFFFF50]  }
0x177: {  	v3 =	vld.idx.msk [tilespmem:v3+s3+$0x0], $0xffff  }
0x178: {  	v4 =	vld.idx.msk [tilespmem:v4+s3+$0x0], $0xffff  }
0x179: {  	v6 =	vld.idx.msk [tilespmem:v6+s3+$0x0], $0xffff  }
0x17a: {  	v1 =	vld.idx.msk [tilespmem:v1+s3+$0x0], $0xffff;
	[tilespmem:s28+$0xD0] =	vst v2  }
0x17b: {  	v2 =	vld [tilespmem:s25+$0xE0]  }
0x17c: {  	v7 =	vld.idx.msk [tilespmem:v7+s3+$0x0], $0xffff  }
0x17d: {  	v5 =	vld.idx.msk [tilespmem:v5+s3+$0x0], $0xffff;
	[tilespmem:s28+$0xFFFFFFD0] =	vst v3  }
0x17e: {  	[tilespmem:s26+$0x90] =	vst v4;
	v3 =	vld.idx.msk [tilespmem:v8+s3+$0x0], $0xffff  }
0x17f: {  	[tilespmem:s26+$0xFFFFFF90] =	vst v6;
	v4 =	vld [tilespmem:s30+$0xA0]  }
0x180: {  	v6 =	vld [tilespmem:s30+$0xFFFFFFA0];
	[tilespmem:s26+$0x10] =	vst v1  }
0x181: {  	v1 =	vld [tilespmem:s30+$0x20]  }
0x182: {  	v8 =	vld [tilespmem:s25+$0xFFFFFFE0];
	[tilespmem:s28+$0x50] =	vst v7  }
0x183: {  	[tilespmem:s26+$0xFFFFFF10] =	vst v5;
	v2 =	vld.idx.msk [tilespmem:v2+s3+$0x0], $0xffff  }
0x184: {  	v5 =	vld [tilespmem:s30+$0xFFFFFF20];
	[tilespmem:s28+$0xFFFFFF50] =	vst v3  }
0x185: {  	v3 =	vld [tilespmem:s25+$0xFFFFFF60]  }
0x186: {  	v7 =	vld [tilespmem:s25+$0x60]  }
0x187: {  	v4 =	vld.idx.msk [tilespmem:v4+s3+$0x0], $0xffff  }
0x188: {  	v6 =	vld.idx.msk [tilespmem:v6+s3+$0x0], $0xffff  }
0x189: {  	v1 =	vld.idx.msk [tilespmem:v1+s3+$0x0], $0xffff;
	[tilespmem:s28+$0xE0] =	vst v2  }
0x18a: {  	v2 =	vld [tilespmem:s25+$0xF0]  }
0x18b: {  	v8 =	vld.idx.msk [tilespmem:v8+s3+$0x0], $0xffff  }
0x18c: {  	v5 =	vld.idx.msk [tilespmem:v5+s3+$0x0], $0xffff  }
0x18d: {  	[tilespmem:s26+$0xA0] =	vst v4;
	v3 =	vld.idx.msk [tilespmem:v3+s3+$0x0], $0xffff  }
0x18e: {  	[tilespmem:s26+$0xFFFFFFA0] =	vst v6;
	v4 =	vld [tilespmem:s30+$0xB0]  }
0x18f: {  	v6 =	vld [tilespmem:s30+$0xFFFFFFB0];
	[tilespmem:s26+$0x20] =	vst v1  }
0x190: {  	v1 =	vld [tilespmem:s30+$0x30]  }
0x191: {  	[tilespmem:s28+$0xFFFFFFE0] =	vst v8;
	v7 =	vld.idx.msk [tilespmem:v7+s3+$0x0], $0xffff  }
0x192: {  	[tilespmem:s26+$0xFFFFFF20] =	vst v5;
	v2 =	vld.idx.msk [tilespmem:v2+s3+$0x0], $0xffff  }
0x193: {  	v5 =	vld [tilespmem:s30+$0xFFFFFF30];
	[tilespmem:s28+$0xFFFFFF60] =	vst v3  }
0x194: {  	v3 =	vld [tilespmem:s25+$0xFFFFFF70]  }
0x195: {  	v8 =	vld [tilespmem:s25+$0xFFFFFFF0]  }
0x196: {  	v4 =	vld.idx.msk [tilespmem:v4+s3+$0x0], $0xffff  }
0x197: {  	v9 =	vld.idx.msk [tilespmem:v6+s3+$0x0], $0xffff;
	[tilespmem:s28+$0x60] =	vst v7  }
0x198: {  	v7 =	vld.idx.msk [tilespmem:v1+s3+$0x0], $0xffff;
	[tilespmem:s28+$0xF0] =	vst v2  }
0x199: {  	v2 =	vld [tilespmem:s25+$0x70];
	s25 =	smov.u32 s30  }
0x19a: {  	v10 =	vld.idx.msk [tilespmem:v0+s3+$0x0], $0xffff  }
0x19b: {  	v6 =	vld.idx.msk [tilespmem:v5+s3+$0x0], $0xffff  }
.Ltmp2:
0x19c: {  	[tilespmem:s26+$0xB0] =	vst v4;
	v1 =	vld.idx.msk [tilespmem:v3+s3+$0x0], $0xffff;
	(pc) =	sbr.rel @p0 .LBB2_6-.Ltmp2, $4  }
0x19d: {  	[tilespmem:s26+$0xFFFFFFB0] =	vst v9;
	v5 =	vld [tilespmem:s30+$0xC0]  }
0x19e: {  	v3 =	vld [tilespmem:s30+$0xFFFFFFC0];
	[tilespmem:s26+$0x30] =	vst v7;
	v0 =	vmov v2  }
0x19f: {  	v4 =	vld [tilespmem:s30+$0x40]  }
0x1a0: {  	s30 =	sadd.s32 $0x200, s30;
	v2 =	vld.idx.msk [tilespmem:v8+s3+$0x0], $0xffff;
	[tilespmem:s24+$0x70] =	vst v10;
	s24 =	smov.u32 s28;
	s28 =	smov.u32 s26  }
0x1a1: {  	[tilespmem:s26+$0xFFFFFF30] =	vst v6  }
0x1a2: {  	v6 =	vld [tilespmem:s25+$0xFFFFFF40];
	_ =	sdelay $0x4  }
0x1a3: {  	v5 =	vld.idx.msk [tilespmem:v5+s3+$0x0], $0xffff  }
0x1a4: {  	v3 =	vld.idx.msk [tilespmem:v3+s3+$0x0], $0xffff  }
0x1a5: {  	v4 =	vld.idx.msk [tilespmem:v4+s3+$0x0], $0xffff  }
0x1a6: {  	v6 =	vld.idx.msk [tilespmem:v6+s3+$0x0], $0xffff;
	_ =	sdelay $0x1  }
0x1a7: {  	[tilespmem:s26+$0xC0] =	vst v5  }
0x1a8: {  	v5 =	vld [tilespmem:s25+$0xD0];
	[tilespmem:s26+$0xFFFFFFC0] =	vst v3  }
0x1a9: {  	[tilespmem:s28+$0x40] =	vst v4;
	v4 =	vld [tilespmem:s25+$0xFFFFFFD0]  }
0x1aa: {  	[tilespmem:s28+$0xFFFFFF40] =	vst v6;
	v6 =	vld [tilespmem:s25+$0x50]  }
0x1ab: {  	v3 =	vld [tilespmem:s25+$0xFFFFFF50];
	_ =	sdelay $0x4  }
0x1ac: {  	v5 =	vld.idx.msk [tilespmem:v5+s3+$0x0], $0xffff  }
0x1ad: {  	v4 =	vld.idx.msk [tilespmem:v4+s3+$0x0], $0xffff  }
0x1ae: {  	v6 =	vld.idx.msk [tilespmem:v6+s3+$0x0], $0xffff  }
0x1af: {  	v3 =	vld.idx.msk [tilespmem:v3+s3+$0x0], $0xffff;
	_ =	sdelay $0x1  }
0x1b0: {  	[tilespmem:s28+$0xD0] =	vst v5  }
0x1b1: {  	v5 =	vld [tilespmem:s25+$0xE0];
	[tilespmem:s28+$0xFFFFFFD0] =	vst v4  }
0x1b2: {  	v4 =	vld [tilespmem:s25+$0xFFFFFFE0];
	[tilespmem:s28+$0x50] =	vst v6  }
0x1b3: {  	[tilespmem:s28+$0xFFFFFF50] =	vst v3;
	v6 =	vld [tilespmem:s25+$0x60]  }
0x1b4: {  	v3 =	vld [tilespmem:s25+$0xFFFFFF60];
	_ =	sdelay $0x4  }
0x1b5: {  	v5 =	vld.idx.msk [tilespmem:v5+s3+$0x0], $0xffff  }
0x1b6: {  	v4 =	vld.idx.msk [tilespmem:v4+s3+$0x0], $0xffff  }
0x1b7: {  	v6 =	vld.idx.msk [tilespmem:v6+s3+$0x0], $0xffff  }
0x1b8: {  	v3 =	vld.idx.msk [tilespmem:v3+s3+$0x0], $0xffff;
	_ =	sdelay $0x1  }
0x1b9: {  	[tilespmem:s28+$0xE0] =	vst v5  }
0x1ba: {  	v5 =	vld [tilespmem:s25+$0xF0];
	[tilespmem:s28+$0xFFFFFFE0] =	vst v4  }
0x1bb: {  	v4 =	vld [tilespmem:s25+$0xFFFFFFF0];
	[tilespmem:s28+$0x60] =	vst v6  }
0x1bc: {  	[tilespmem:s28+$0xFFFFFF60] =	vst v3;
	v6 =	vld [tilespmem:s25+$0x70]  }
0x1bd: {  	v3 =	vld [tilespmem:s25+$0xFFFFFF70];
	_ =	sdelay $0x3  }
0x1be: {  	v0 =	vld.idx.msk [tilespmem:v0+s3+$0x0], $0xffff  }
0x1bf: {  	v5 =	vld.idx.msk [tilespmem:v5+s3+$0x0], $0xffff  }
0x1c0: {  	[tilespmem:s24+$0xFFFFFF70] =	vst v1;
	v1 =	vld.idx.msk [tilespmem:v4+s3+$0x0], $0xffff  }
0x1c1: {  	[tilespmem:s24+$0xFFFFFFF0] =	vst v2;
	v2 =	vld.idx.msk [tilespmem:v6+s3+$0x0], $0xffff  }
0x1c2: {  	v3 =	vld.idx.msk [tilespmem:v3+s3+$0x0], $0xffff  }
0x1c3: {  	[tilespmem:s24+$0x70] =	vst v0  }
0x1c4: {  	[tilespmem:s28+$0xF0] =	vst v5  }
0x1c5: {  	[tilespmem:s28+$0xFFFFFFF0] =	vst v1  }
0x1c6: {  	[tilespmem:s28+$0x70] =	vst v2  }
0x1c7: {  	[tilespmem:s28+$0xFFFFFF70] =	vst v3  }
0x1c8: {  	[hbm4b:s8+s14] =	stream.strided.scatter [tilespmem:s20], [sflag:$0x4], $0x6400, s13, s14, $0x38;
	[tilespmem:$0x19400] =	vst v63  }
0x1c9: {  	_ = 	snop  }
0x1ca: {  	[tilespmem:s16], [sflag:$0x2] =	stream.strided.gather [hbm4b:s9+s14], $0x6400, s13, s14, $0x38;
	[tilespmem:$0x19400] =	vst v63  }
0x1cb: {  	_ =	swait.ge [sflag:s17], $0x6400  }
0x1cc: {  	[sflag:s17] =	ssyncset.done $0x0  }
0x1cd: {  	[sflag:s17] =	ssyncadd.s32 $0xFFFF9C00  }
0x1ce: {  	_ =	swait.ge [sflag:s21], $0x6400  }
0x1cf: {  	[sflag:s21] =	ssyncset.done $0x0  }
0x1d0: {  	s28 =	simm.s32 $0x500;
	[sflag:s21] =	ssyncadd.s32 $0xFFFF9C00  }
0x1d1: {  	v0 =	vld [tilespmem:s28+$0x80]  }
0x1d2: {  	v1 =	vld [tilespmem:s28+$0xFFFFFF80]  }
0x1d3: {  	v2 =	vld [tilespmem:s28+$0x0];
	_ =	sdelay $0x2  }
0x1d4: {  	v3 =	vld [tilespmem:s28+$0xFFFFFF00];
	_ =	sdelay $0x2  }
0x1d5: {  	v0 =	vld.idx.msk [tilespmem:v0+s3+$0x0], $0xffff  }
0x1d6: {  	v1 =	vld.idx.msk [tilespmem:v1+s3+$0x0], $0xffff  }
0x1d7: {  	v2 =	vld.idx.msk [tilespmem:v2+s3+$0x0], $0xffff;
	_ =	sdelay $0x1  }
0x1d8: {  	s24 =	simm.s32 $0xCD00  }
0x1d9: {  	v3 =	vld.idx.msk [tilespmem:v3+s3+$0x0], $0xffff;
	[tilespmem:s24+$0x80] =	vst v0  }
0x1da: {  	[tilespmem:s24+$0xFFFFFF80] =	vst v1;
	v0 =	vld [tilespmem:s28+$0x90]  }
0x1db: {  	[tilespmem:s24+$0x0] =	vst v2;
	v1 =	vld [tilespmem:s28+$0xFFFFFF90]  }
0x1dc: {  	v2 =	vld [tilespmem:s28+$0x10];
	_ =	sdelay $0x1  }
0x1dd: {  	[tilespmem:s24+$0xFFFFFF00] =	vst v3  }
0x1de: {  	v3 =	vld [tilespmem:s28+$0xFFFFFF10];
	_ =	sdelay $0x2  }
0x1df: {  	v0 =	vld.idx.msk [tilespmem:v0+s3+$0x0], $0xffff  }
0x1e0: {  	v1 =	vld.idx.msk [tilespmem:v1+s3+$0x0], $0xffff  }
0x1e1: {  	v2 =	vld.idx.msk [tilespmem:v2+s3+$0x0], $0xffff;
	_ =	sdelay $0x2  }
0x1e2: {  	v3 =	vld.idx.msk [tilespmem:v3+s3+$0x0], $0xffff;
	[tilespmem:s24+$0x90] =	vst v0  }
0x1e3: {  	[tilespmem:s24+$0xFFFFFF90] =	vst v1;
	v0 =	vld [tilespmem:s28+$0xA0]  }
0x1e4: {  	[tilespmem:s24+$0x10] =	vst v2;
	v1 =	vld [tilespmem:s28+$0xFFFFFFA0]  }
0x1e5: {  	v2 =	vld [tilespmem:s28+$0x20];
	_ =	sdelay $0x1  }
0x1e6: {  	[tilespmem:s24+$0xFFFFFF10] =	vst v3  }
0x1e7: {  	v3 =	vld [tilespmem:s28+$0xFFFFFF20]  }
0x1e8: {  	s25 =	simm.s32 $0x700  }
0x1e9: {  	v4 =	vld [tilespmem:s25+$0x80]  }
0x1ea: {  	v0 =	vld.idx.msk [tilespmem:v0+s3+$0x0], $0xffff  }
0x1eb: {  	v1 =	vld.idx.msk [tilespmem:v1+s3+$0x0], $0xffff  }
0x1ec: {  	v2 =	vld.idx.msk [tilespmem:v2+s3+$0x0], $0xffff;
	_ =	sdelay $0x1  }
0x1ed: {  	v5 =	vld [tilespmem:s25+$0xFFFFFF80]  }
0x1ee: {  	v3 =	vld.idx.msk [tilespmem:v3+s3+$0x0], $0xffff;
	[tilespmem:s24+$0xA0] =	vst v0  }
0x1ef: {  	[tilespmem:s24+$0xFFFFFFA0] =	vst v1;
	v0 =	vld [tilespmem:s28+$0xB0]  }
0x1f0: {  	[tilespmem:s24+$0x20] =	vst v2;
	v1 =	vld [tilespmem:s28+$0xFFFFFFB0]  }
0x1f1: {  	v2 =	vld [tilespmem:s28+$0x30];
	_ =	sdelay $0x1  }
0x1f2: {  	v4 =	vld.idx.msk [tilespmem:v4+s3+$0x0], $0xffff;
	[tilespmem:s24+$0xFFFFFF20] =	vst v3  }
0x1f3: {  	v3 =	vld [tilespmem:s28+$0xFFFFFF30]  }
0x1f4: {  	v5 =	vld.idx.msk [tilespmem:v5+s3+$0x0], $0xffff  }
0x1f5: {  	v6 =	vld [tilespmem:s25+$0x0]  }
0x1f6: {  	v0 =	vld.idx.msk [tilespmem:v0+s3+$0x0], $0xffff  }
0x1f7: {  	s26 =	simm.s32 $0xCF00;
	v1 =	vld.idx.msk [tilespmem:v1+s3+$0x0], $0xffff  }
0x1f8: {  	[tilespmem:s26+$0x80] =	vst v4;
	v2 =	vld.idx.msk [tilespmem:v2+s3+$0x0], $0xffff  }
0x1f9: {  	[tilespmem:s26+$0xFFFFFF80] =	vst v5;
	v4 =	vld [tilespmem:s25+$0x90]  }
0x1fa: {  	v5 =	vld [tilespmem:s25+$0xFFFFFF90]  }
0x1fb: {  	v3 =	vld.idx.msk [tilespmem:v3+s3+$0x0], $0xffff;
	[tilespmem:s24+$0xB0] =	vst v0  }
0x1fc: {  	[tilespmem:s24+$0xFFFFFFB0] =	vst v1;
	v0 =	vld [tilespmem:s28+$0xC0]  }
0x1fd: {  	[tilespmem:s24+$0x30] =	vst v2;
	v1 =	vld [tilespmem:s28+$0xFFFFFFC0]  }
0x1fe: {  	v2 =	vld [tilespmem:s28+$0x40]  }
0x1ff: {  	v7 =	vld [tilespmem:s25+$0xFFFFFF00]  }
0x200: {  	v6 =	vld.idx.msk [tilespmem:v6+s3+$0x0], $0xffff  }
0x201: {  	v4 =	vld.idx.msk [tilespmem:v4+s3+$0x0], $0xffff;
	[tilespmem:s24+$0xFFFFFF30] =	vst v3  }
0x202: {  	v3 =	vld [tilespmem:s28+$0xFFFFFF40]  }
0x203: {  	v5 =	vld.idx.msk [tilespmem:v5+s3+$0x0], $0xffff  }
0x204: {  	v0 =	vld.idx.msk [tilespmem:v0+s3+$0x0], $0xffff  }
0x205: {  	v1 =	vld.idx.msk [tilespmem:v1+s3+$0x0], $0xffff  }
0x206: {  	[tilespmem:s26+$0x0] =	vst v6;
	v2 =	vld.idx.msk [tilespmem:v2+s3+$0x0], $0xffff  }
0x207: {  	[tilespmem:s26+$0x90] =	vst v4  }
0x208: {  	v7 =	vld.idx.msk [tilespmem:v7+s3+$0x0], $0xffff;
	[tilespmem:s26+$0xFFFFFF90] =	vst v5  }
0x209: {  	v5 =	vld [tilespmem:s25+$0xA0];
	[tilespmem:s24+$0xC0] =	vst v0  }
0x20a: {  	[tilespmem:s24+$0xFFFFFFC0] =	vst v1;
	v1 =	vld.idx.msk [tilespmem:v3+s3+$0x0], $0xffff  }
0x20b: {  	[tilespmem:s24+$0x40] =	vst v2;
	v2 =	vld [tilespmem:s25+$0x10]  }
0x20c: {  	v0 =	vld [tilespmem:s28+$0xD0]  }
0x20d: {  	v3 =	vld [tilespmem:s28+$0xFFFFFFD0]  }
0x20e: {  	[tilespmem:s26+$0xFFFFFF00] =	vst v7;
	v6 =	vld [tilespmem:s28+$0x50]  }
0x20f: {  	[tilespmem:s24+$0xFFFFFF40] =	vst v1;
	v1 =	vld [tilespmem:s25+$0xFFFFFF10]  }
0x210: {  	v7 =	vld [tilespmem:s28+$0xFFFFFF50];
	_ =	sdelay $0x1  }
0x211: {  	v5 =	vld.idx.msk [tilespmem:v5+s3+$0x0], $0xffff  }
0x212: {  	v2 =	vld.idx.msk [tilespmem:v2+s3+$0x0], $0xffff  }
0x213: {  	v0 =	vld.idx.msk [tilespmem:v0+s3+$0x0], $0xffff  }
0x214: {  	v3 =	vld.idx.msk [tilespmem:v3+s3+$0x0], $0xffff  }
0x215: {  	v6 =	vld.idx.msk [tilespmem:v6+s3+$0x0], $0xffff  }
0x216: {  	v1 =	vld.idx.msk [tilespmem:v1+s3+$0x0], $0xffff  }
0x217: {  	v4 =	vld.idx.msk [tilespmem:v7+s3+$0x0], $0xffff  }
0x218: {  	[tilespmem:s26+$0x10] =	vst v2;
	v7 =	vld [tilespmem:s25+$0xFFFFFFA0]  }
0x219: {  	[tilespmem:s24+$0xD0] =	vst v0;
	v2 =	vld [tilespmem:s25+$0x20]  }
0x21a: {  	[tilespmem:s24+$0xFFFFFFD0] =	vst v3;
	v0 =	vld [tilespmem:s28+$0xE0]  }
0x21b: {  	v3 =	vld [tilespmem:s28+$0xFFFFFFE0];
	[tilespmem:s26+$0xFFFFFF10] =	vst v1  }
0x21c: {  	v1 =	vld [tilespmem:s25+$0xFFFFFF20];
	[tilespmem:s24+$0xFFFFFF50] =	vst v4  }
0x21d: {  	[tilespmem:s26+$0xA0] =	vst v5;
	v4 =	vld [tilespmem:s28+$0xFFFFFF60]  }
0x21e: {  	v5 =	vld [tilespmem:s25+$0xB0];
	[tilespmem:s24+$0x50] =	vst v6  }
0x21f: {  	v6 =	vld [tilespmem:s28+$0x60]  }
0x220: {  	v7 =	vld.idx.msk [tilespmem:v7+s3+$0x0], $0xffff  }
0x221: {  	v2 =	vld.idx.msk [tilespmem:v2+s3+$0x0], $0xffff  }
0x222: {  	v0 =	vld.idx.msk [tilespmem:v0+s3+$0x0], $0xffff  }
0x223: {  	v3 =	vld.idx.msk [tilespmem:v3+s3+$0x0], $0xffff  }
0x224: {  	v1 =	vld.idx.msk [tilespmem:v1+s3+$0x0], $0xffff  }
0x225: {  	[tilespmem:s26+$0xFFFFFFA0] =	vst v7;
	v4 =	vld.idx.msk [tilespmem:v4+s3+$0x0], $0xffff  }
0x226: {  	[tilespmem:s26+$0x20] =	vst v2;
	v7 =	vld [tilespmem:s25+$0xFFFFFFB0]  }
0x227: {  	[tilespmem:s24+$0xE0] =	vst v0;
	v2 =	vld [tilespmem:s25+$0x30]  }
0x228: {  	v0 =	vld [tilespmem:s28+$0xF0]  }
0x229: {  	v6 =	vld.idx.msk [tilespmem:v6+s3+$0x0], $0xffff;
	[tilespmem:s26+$0xFFFFFF20] =	vst v1  }
0x22a: {  	[tilespmem:s24+$0xFFFFFFE0] =	vst v3;
	v1 =	vld [tilespmem:s25+$0xFFFFFF30]  }
0x22b: {  	v3 =	vld.idx.msk [tilespmem:v5+s3+$0x0], $0xffff;
	[tilespmem:s24+$0xFFFFFF60] =	vst v4  }
0x22c: {  	v4 =	vld [tilespmem:s28+$0xFFFFFF70]  }
0x22d: {  	v9 =	vld [tilespmem:s28+$0xFFFFFFF0]  }
0x22e: {  	v5 =	vld.idx.msk [tilespmem:v7+s3+$0x0], $0xffff  }
0x22f: {  	v2 =	vld.idx.msk [tilespmem:v2+s3+$0x0], $0xffff  }
0x230: {  	[tilespmem:s24+$0x60] =	vst v6;
	v8 =	vld.idx.msk [tilespmem:v0+s3+$0x0], $0xffff  }
0x231: {  	v0 =	vld [tilespmem:s28+$0x70]  }
0x232: {  	[tilespmem:s26+$0xB0] =	vst v3;
	v6 =	vld.idx.msk [tilespmem:v1+s3+$0x0], $0xffff  }
0x233: {  	[tilespmem:s26+$0xFFFFFFB0] =	vst v5;
	v5 =	vld [tilespmem:s25+$0xC0]  }
0x234: {  	v1 =	vld.idx.msk [tilespmem:v4+s3+$0x0], $0xffff  }
0x235: {  	[tilespmem:s26+$0x30] =	vst v2;
	v2 =	vld.idx.msk [tilespmem:v9+s3+$0x0], $0xffff  }
0x236: {  	v3 =	vld [tilespmem:s25+$0xFFFFFFC0]  }
0x237: {  	s29 =	simm.s32 $0x4;
	s30 =	simm.s32 $0x900;
	s28 =	simm.s32 $0xCF00;
	v4 =	vld [tilespmem:s25+$0x40];
	[tilespmem:s24+$0xF0] =	vst v8  }
.LBB2_8:
0x238: {  	v7 =	vld [tilespmem:s30+$0x80];
	s29 =	sadd.s32 $0x4, s29;
	[tilespmem:s26+$0xFFFFFF30] =	vst v6  }
0x239: {  	v6 =	vld [tilespmem:s30+$0xFFFFFF80];
	p0 =	slt.u32 s29, $0xC4;
	[tilespmem:s24+$0xFFFFFF70] =	vst v1  }
0x23a: {  	v1 =	vld [tilespmem:s30+$0x0]  }
0x23b: {  	v8 =	vld [tilespmem:s30+$0xFFFFFF00]  }
0x23c: {  	v5 =	vld.idx.msk [tilespmem:v5+s3+$0x0], $0xffff  }
0x23d: {  	v9 =	vld [tilespmem:s25+$0xFFFFFF40];
	[tilespmem:s24+$0xFFFFFFF0] =	vst v2  }
0x23e: {  	v2 =	vld.idx.msk [tilespmem:v3+s3+$0x0], $0xffff  }
0x23f: {  	v3 =	vld.idx.msk [tilespmem:v4+s3+$0x0], $0xffff  }
0x240: {  	v4 =	vld.idx.msk [tilespmem:v7+s3+$0x0], $0xffff  }
0x241: {  	v6 =	vld.idx.msk [tilespmem:v6+s3+$0x0], $0xffff  }
0x242: {  	v1 =	vld.idx.msk [tilespmem:v1+s3+$0x0], $0xffff;
	[tilespmem:s26+$0xC0] =	vst v5  }
0x243: {  	v5 =	vld [tilespmem:s25+$0xD0]  }
0x244: {  	v7 =	vld.idx.msk [tilespmem:v8+s3+$0x0], $0xffff;
	[tilespmem:s26+$0xFFFFFFC0] =	vst v2  }
0x245: {  	s26 =	sadd.s32 $0x200, s26;
	v2 =	vld.idx.msk [tilespmem:v9+s3+$0x0], $0xffff;
	[tilespmem:s28+$0x40] =	vst v3  }
0x246: {  	[tilespmem:s26+$0x80] =	vst v4;
	v3 =	vld [tilespmem:s25+$0xFFFFFFD0]  }
0x247: {  	[tilespmem:s26+$0xFFFFFF80] =	vst v6;
	v4 =	vld [tilespmem:s30+$0x90]  }
0x248: {  	v6 =	vld [tilespmem:s30+$0xFFFFFF90];
	[tilespmem:s26+$0x0] =	vst v1  }
0x249: {  	v1 =	vld [tilespmem:s30+$0x10]  }
0x24a: {  	[tilespmem:s26+$0xFFFFFF00] =	vst v7;
	v7 =	vld [tilespmem:s25+$0x50]  }
0x24b: {  	[tilespmem:s28+$0xFFFFFF40] =	vst v2;
	v2 =	vld.idx.msk [tilespmem:v5+s3+$0x0], $0xffff  }
0x24c: {  	v5 =	vld [tilespmem:s30+$0xFFFFFF10]  }
0x24d: {  	v8 =	vld [tilespmem:s25+$0xFFFFFF50]  }
0x24e: {  	v3 =	vld.idx.msk [tilespmem:v3+s3+$0x0], $0xffff  }
0x24f: {  	v4 =	vld.idx.msk [tilespmem:v4+s3+$0x0], $0xffff  }
0x250: {  	v6 =	vld.idx.msk [tilespmem:v6+s3+$0x0], $0xffff  }
0x251: {  	v1 =	vld.idx.msk [tilespmem:v1+s3+$0x0], $0xffff;
	[tilespmem:s28+$0xD0] =	vst v2  }
0x252: {  	v2 =	vld [tilespmem:s25+$0xE0]  }
0x253: {  	v7 =	vld.idx.msk [tilespmem:v7+s3+$0x0], $0xffff  }
0x254: {  	v5 =	vld.idx.msk [tilespmem:v5+s3+$0x0], $0xffff;
	[tilespmem:s28+$0xFFFFFFD0] =	vst v3  }
0x255: {  	[tilespmem:s26+$0x90] =	vst v4;
	v3 =	vld.idx.msk [tilespmem:v8+s3+$0x0], $0xffff  }
0x256: {  	[tilespmem:s26+$0xFFFFFF90] =	vst v6;
	v4 =	vld [tilespmem:s30+$0xA0]  }
0x257: {  	v6 =	vld [tilespmem:s30+$0xFFFFFFA0];
	[tilespmem:s26+$0x10] =	vst v1  }
0x258: {  	v1 =	vld [tilespmem:s30+$0x20]  }
0x259: {  	v8 =	vld [tilespmem:s25+$0xFFFFFFE0];
	[tilespmem:s28+$0x50] =	vst v7  }
0x25a: {  	[tilespmem:s26+$0xFFFFFF10] =	vst v5;
	v2 =	vld.idx.msk [tilespmem:v2+s3+$0x0], $0xffff  }
0x25b: {  	v5 =	vld [tilespmem:s30+$0xFFFFFF20];
	[tilespmem:s28+$0xFFFFFF50] =	vst v3  }
0x25c: {  	v3 =	vld [tilespmem:s25+$0xFFFFFF60]  }
0x25d: {  	v7 =	vld [tilespmem:s25+$0x60]  }
0x25e: {  	v4 =	vld.idx.msk [tilespmem:v4+s3+$0x0], $0xffff  }
0x25f: {  	v6 =	vld.idx.msk [tilespmem:v6+s3+$0x0], $0xffff  }
0x260: {  	v1 =	vld.idx.msk [tilespmem:v1+s3+$0x0], $0xffff;
	[tilespmem:s28+$0xE0] =	vst v2  }
0x261: {  	v2 =	vld [tilespmem:s25+$0xF0]  }
0x262: {  	v8 =	vld.idx.msk [tilespmem:v8+s3+$0x0], $0xffff  }
0x263: {  	v5 =	vld.idx.msk [tilespmem:v5+s3+$0x0], $0xffff  }
0x264: {  	[tilespmem:s26+$0xA0] =	vst v4;
	v3 =	vld.idx.msk [tilespmem:v3+s3+$0x0], $0xffff  }
0x265: {  	[tilespmem:s26+$0xFFFFFFA0] =	vst v6;
	v4 =	vld [tilespmem:s30+$0xB0]  }
0x266: {  	v6 =	vld [tilespmem:s30+$0xFFFFFFB0];
	[tilespmem:s26+$0x20] =	vst v1  }
0x267: {  	v1 =	vld [tilespmem:s30+$0x30]  }
0x268: {  	[tilespmem:s28+$0xFFFFFFE0] =	vst v8;
	v7 =	vld.idx.msk [tilespmem:v7+s3+$0x0], $0xffff  }
0x269: {  	[tilespmem:s26+$0xFFFFFF20] =	vst v5;
	v2 =	vld.idx.msk [tilespmem:v2+s3+$0x0], $0xffff  }
0x26a: {  	v5 =	vld [tilespmem:s30+$0xFFFFFF30];
	[tilespmem:s28+$0xFFFFFF60] =	vst v3  }
0x26b: {  	v3 =	vld [tilespmem:s25+$0xFFFFFF70]  }
0x26c: {  	v8 =	vld [tilespmem:s25+$0xFFFFFFF0]  }
0x26d: {  	v4 =	vld.idx.msk [tilespmem:v4+s3+$0x0], $0xffff  }
0x26e: {  	v9 =	vld.idx.msk [tilespmem:v6+s3+$0x0], $0xffff;
	[tilespmem:s28+$0x60] =	vst v7  }
0x26f: {  	v7 =	vld.idx.msk [tilespmem:v1+s3+$0x0], $0xffff;
	[tilespmem:s28+$0xF0] =	vst v2  }
0x270: {  	v2 =	vld [tilespmem:s25+$0x70];
	s25 =	smov.u32 s30  }
0x271: {  	v10 =	vld.idx.msk [tilespmem:v0+s3+$0x0], $0xffff  }
0x272: {  	v6 =	vld.idx.msk [tilespmem:v5+s3+$0x0], $0xffff  }
.Ltmp3:
0x273: {  	[tilespmem:s26+$0xB0] =	vst v4;
	v1 =	vld.idx.msk [tilespmem:v3+s3+$0x0], $0xffff;
	(pc) =	sbr.rel @p0 .LBB2_8-.Ltmp3, $4  }
0x274: {  	[tilespmem:s26+$0xFFFFFFB0] =	vst v9;
	v5 =	vld [tilespmem:s30+$0xC0]  }
0x275: {  	v3 =	vld [tilespmem:s30+$0xFFFFFFC0];
	[tilespmem:s26+$0x30] =	vst v7;
	v0 =	vmov v2  }
0x276: {  	v4 =	vld [tilespmem:s30+$0x40]  }
0x277: {  	s30 =	sadd.s32 $0x200, s30;
	v2 =	vld.idx.msk [tilespmem:v8+s3+$0x0], $0xffff;
	[tilespmem:s24+$0x70] =	vst v10;
	s24 =	smov.u32 s28;
	s28 =	smov.u32 s26  }
0x278: {  	[tilespmem:s26+$0xFFFFFF30] =	vst v6  }
0x279: {  	v6 =	vld [tilespmem:s25+$0xFFFFFF40];
	_ =	sdelay $0x4  }
0x27a: {  	v5 =	vld.idx.msk [tilespmem:v5+s3+$0x0], $0xffff  }
0x27b: {  	v3 =	vld.idx.msk [tilespmem:v3+s3+$0x0], $0xffff  }
0x27c: {  	v4 =	vld.idx.msk [tilespmem:v4+s3+$0x0], $0xffff  }
0x27d: {  	v6 =	vld.idx.msk [tilespmem:v6+s3+$0x0], $0xffff;
	_ =	sdelay $0x1  }
0x27e: {  	[tilespmem:s26+$0xC0] =	vst v5  }
0x27f: {  	v5 =	vld [tilespmem:s25+$0xD0];
	[tilespmem:s26+$0xFFFFFFC0] =	vst v3  }
0x280: {  	[tilespmem:s28+$0x40] =	vst v4;
	v4 =	vld [tilespmem:s25+$0xFFFFFFD0]  }
0x281: {  	[tilespmem:s28+$0xFFFFFF40] =	vst v6;
	v6 =	vld [tilespmem:s25+$0x50]  }
0x282: {  	v3 =	vld [tilespmem:s25+$0xFFFFFF50];
	_ =	sdelay $0x4  }
0x283: {  	v5 =	vld.idx.msk [tilespmem:v5+s3+$0x0], $0xffff  }
0x284: {  	v4 =	vld.idx.msk [tilespmem:v4+s3+$0x0], $0xffff  }
0x285: {  	v6 =	vld.idx.msk [tilespmem:v6+s3+$0x0], $0xffff  }
0x286: {  	v3 =	vld.idx.msk [tilespmem:v3+s3+$0x0], $0xffff;
	_ =	sdelay $0x1  }
0x287: {  	[tilespmem:s28+$0xD0] =	vst v5  }
0x288: {  	v5 =	vld [tilespmem:s25+$0xE0];
	[tilespmem:s28+$0xFFFFFFD0] =	vst v4  }
0x289: {  	v4 =	vld [tilespmem:s25+$0xFFFFFFE0];
	[tilespmem:s28+$0x50] =	vst v6  }
0x28a: {  	[tilespmem:s28+$0xFFFFFF50] =	vst v3;
	v6 =	vld [tilespmem:s25+$0x60]  }
0x28b: {  	v3 =	vld [tilespmem:s25+$0xFFFFFF60];
	_ =	sdelay $0x4  }
0x28c: {  	v5 =	vld.idx.msk [tilespmem:v5+s3+$0x0], $0xffff  }
0x28d: {  	v4 =	vld.idx.msk [tilespmem:v4+s3+$0x0], $0xffff  }
0x28e: {  	v6 =	vld.idx.msk [tilespmem:v6+s3+$0x0], $0xffff  }
0x28f: {  	v3 =	vld.idx.msk [tilespmem:v3+s3+$0x0], $0xffff;
	_ =	sdelay $0x1  }
0x290: {  	[tilespmem:s28+$0xE0] =	vst v5  }
0x291: {  	v5 =	vld [tilespmem:s25+$0xF0];
	[tilespmem:s28+$0xFFFFFFE0] =	vst v4  }
0x292: {  	v4 =	vld [tilespmem:s25+$0xFFFFFFF0];
	[tilespmem:s28+$0x60] =	vst v6  }
0x293: {  	[tilespmem:s28+$0xFFFFFF60] =	vst v3;
	v6 =	vld [tilespmem:s25+$0x70]  }
0x294: {  	v3 =	vld [tilespmem:s25+$0xFFFFFF70];
	_ =	sdelay $0x3  }
0x295: {  	v0 =	vld.idx.msk [tilespmem:v0+s3+$0x0], $0xffff  }
0x296: {  	v5 =	vld.idx.msk [tilespmem:v5+s3+$0x0], $0xffff  }
0x297: {  	[tilespmem:s24+$0xFFFFFF70] =	vst v1;
	v1 =	vld.idx.msk [tilespmem:v4+s3+$0x0], $0xffff  }
0x298: {  	[tilespmem:s24+$0xFFFFFFF0] =	vst v2;
	v2 =	vld.idx.msk [tilespmem:v6+s3+$0x0], $0xffff  }
0x299: {  	v3 =	vld.idx.msk [tilespmem:v3+s3+$0x0], $0xffff  }
0x29a: {  	[tilespmem:s24+$0x70] =	vst v0  }
0x29b: {  	[tilespmem:s28+$0xF0] =	vst v5  }
0x29c: {  	[tilespmem:s28+$0xFFFFFFF0] =	vst v1  }
0x29d: {  	[tilespmem:s28+$0x70] =	vst v2  }
0x29e: {  	[tilespmem:s28+$0xFFFFFF70] =	vst v3  }
0x29f: {  	[hbm4b:s10+s14] =	stream.strided.scatter [tilespmem:s18], [sflag:$0x3], $0x6400, s13, s14, $0x38;
	[tilespmem:$0x19400] =	vst v63  }
0x2a0: {  	_ =	swait.ge [sflag:s19], $0x6400  }
0x2a1: {  	[sflag:s19] =	ssyncset.done $0x0  }
0x2a2: {  	[sflag:s19] =	ssyncadd.s32 $0xFFFF9C00  }
0x2a3: {  	_ =	swait.ge [sflag:s22], $0x6400  }
0x2a4: {  	[sflag:s22] =	ssyncset.done $0x0  }
0x2a5: {  	s28 =	simm.s32 $0x6900;
	[sflag:s22] =	ssyncadd.s32 $0xFFFF9C00  }
0x2a6: {  	v0 =	vld [tilespmem:s28+$0x80]  }
0x2a7: {  	v1 =	vld [tilespmem:s28+$0xFFFFFF80]  }
0x2a8: {  	v2 =	vld [tilespmem:s28+$0x0];
	_ =	sdelay $0x2  }
0x2a9: {  	v3 =	vld [tilespmem:s28+$0xFFFFFF00];
	_ =	sdelay $0x2  }
0x2aa: {  	v0 =	vld.idx.msk [tilespmem:v0+s3+$0x0], $0xffff  }
0x2ab: {  	v1 =	vld.idx.msk [tilespmem:v1+s3+$0x0], $0xffff  }
0x2ac: {  	v2 =	vld.idx.msk [tilespmem:v2+s3+$0x0], $0xffff;
	_ =	sdelay $0x1  }
0x2ad: {  	s24 =	simm.s32 $0x13100  }
0x2ae: {  	v3 =	vld.idx.msk [tilespmem:v3+s3+$0x0], $0xffff;
	[tilespmem:s24+$0x80] =	vst v0  }
0x2af: {  	[tilespmem:s24+$0xFFFFFF80] =	vst v1;
	v0 =	vld [tilespmem:s28+$0x90]  }
0x2b0: {  	[tilespmem:s24+$0x0] =	vst v2;
	v1 =	vld [tilespmem:s28+$0xFFFFFF90]  }
0x2b1: {  	v2 =	vld [tilespmem:s28+$0x10];
	_ =	sdelay $0x1  }
0x2b2: {  	[tilespmem:s24+$0xFFFFFF00] =	vst v3  }
0x2b3: {  	v3 =	vld [tilespmem:s28+$0xFFFFFF10];
	_ =	sdelay $0x2  }
0x2b4: {  	v0 =	vld.idx.msk [tilespmem:v0+s3+$0x0], $0xffff  }
0x2b5: {  	v1 =	vld.idx.msk [tilespmem:v1+s3+$0x0], $0xffff  }
0x2b6: {  	v2 =	vld.idx.msk [tilespmem:v2+s3+$0x0], $0xffff;
	_ =	sdelay $0x2  }
0x2b7: {  	v3 =	vld.idx.msk [tilespmem:v3+s3+$0x0], $0xffff;
	[tilespmem:s24+$0x90] =	vst v0  }
0x2b8: {  	[tilespmem:s24+$0xFFFFFF90] =	vst v1;
	v0 =	vld [tilespmem:s28+$0xA0]  }
0x2b9: {  	[tilespmem:s24+$0x10] =	vst v2;
	v1 =	vld [tilespmem:s28+$0xFFFFFFA0]  }
0x2ba: {  	v2 =	vld [tilespmem:s28+$0x20];
	_ =	sdelay $0x1  }
0x2bb: {  	[tilespmem:s24+$0xFFFFFF10] =	vst v3  }
0x2bc: {  	v3 =	vld [tilespmem:s28+$0xFFFFFF20]  }
0x2bd: {  	s25 =	simm.s32 $0x6B00  }
0x2be: {  	v4 =	vld [tilespmem:s25+$0x80]  }
0x2bf: {  	v0 =	vld.idx.msk [tilespmem:v0+s3+$0x0], $0xffff  }
0x2c0: {  	v1 =	vld.idx.msk [tilespmem:v1+s3+$0x0], $0xffff  }
0x2c1: {  	v2 =	vld.idx.msk [tilespmem:v2+s3+$0x0], $0xffff;
	_ =	sdelay $0x1  }
0x2c2: {  	v5 =	vld [tilespmem:s25+$0xFFFFFF80]  }
0x2c3: {  	v3 =	vld.idx.msk [tilespmem:v3+s3+$0x0], $0xffff;
	[tilespmem:s24+$0xA0] =	vst v0  }
0x2c4: {  	[tilespmem:s24+$0xFFFFFFA0] =	vst v1;
	v0 =	vld [tilespmem:s28+$0xB0]  }
0x2c5: {  	[tilespmem:s24+$0x20] =	vst v2;
	v1 =	vld [tilespmem:s28+$0xFFFFFFB0]  }
0x2c6: {  	v2 =	vld [tilespmem:s28+$0x30];
	_ =	sdelay $0x1  }
0x2c7: {  	v4 =	vld.idx.msk [tilespmem:v4+s3+$0x0], $0xffff;
	[tilespmem:s24+$0xFFFFFF20] =	vst v3  }
0x2c8: {  	v3 =	vld [tilespmem:s28+$0xFFFFFF30]  }
0x2c9: {  	v5 =	vld.idx.msk [tilespmem:v5+s3+$0x0], $0xffff  }
0x2ca: {  	v6 =	vld [tilespmem:s25+$0x0]  }
0x2cb: {  	v0 =	vld.idx.msk [tilespmem:v0+s3+$0x0], $0xffff  }
0x2cc: {  	s26 =	simm.s32 $0x13300;
	v1 =	vld.idx.msk [tilespmem:v1+s3+$0x0], $0xffff  }
0x2cd: {  	[tilespmem:s26+$0x80] =	vst v4;
	v2 =	vld.idx.msk [tilespmem:v2+s3+$0x0], $0xffff  }
0x2ce: {  	[tilespmem:s26+$0xFFFFFF80] =	vst v5;
	v4 =	vld [tilespmem:s25+$0x90]  }
0x2cf: {  	v5 =	vld [tilespmem:s25+$0xFFFFFF90]  }
0x2d0: {  	v3 =	vld.idx.msk [tilespmem:v3+s3+$0x0], $0xffff;
	[tilespmem:s24+$0xB0] =	vst v0  }
0x2d1: {  	[tilespmem:s24+$0xFFFFFFB0] =	vst v1;
	v0 =	vld [tilespmem:s28+$0xC0]  }
0x2d2: {  	[tilespmem:s24+$0x30] =	vst v2;
	v1 =	vld [tilespmem:s28+$0xFFFFFFC0]  }
0x2d3: {  	v2 =	vld [tilespmem:s28+$0x40]  }
0x2d4: {  	v7 =	vld [tilespmem:s25+$0xFFFFFF00]  }
0x2d5: {  	v6 =	vld.idx.msk [tilespmem:v6+s3+$0x0], $0xffff  }
0x2d6: {  	v4 =	vld.idx.msk [tilespmem:v4+s3+$0x0], $0xffff;
	[tilespmem:s24+$0xFFFFFF30] =	vst v3  }
0x2d7: {  	v3 =	vld [tilespmem:s28+$0xFFFFFF40]  }
0x2d8: {  	v5 =	vld.idx.msk [tilespmem:v5+s3+$0x0], $0xffff  }
0x2d9: {  	v0 =	vld.idx.msk [tilespmem:v0+s3+$0x0], $0xffff  }
0x2da: {  	v1 =	vld.idx.msk [tilespmem:v1+s3+$0x0], $0xffff  }
0x2db: {  	[tilespmem:s26+$0x0] =	vst v6;
	v2 =	vld.idx.msk [tilespmem:v2+s3+$0x0], $0xffff  }
0x2dc: {  	[tilespmem:s26+$0x90] =	vst v4  }
0x2dd: {  	v7 =	vld.idx.msk [tilespmem:v7+s3+$0x0], $0xffff;
	[tilespmem:s26+$0xFFFFFF90] =	vst v5  }
0x2de: {  	v5 =	vld [tilespmem:s25+$0xA0];
	[tilespmem:s24+$0xC0] =	vst v0  }
0x2df: {  	[tilespmem:s24+$0xFFFFFFC0] =	vst v1;
	v1 =	vld.idx.msk [tilespmem:v3+s3+$0x0], $0xffff  }
0x2e0: {  	[tilespmem:s24+$0x40] =	vst v2;
	v2 =	vld [tilespmem:s25+$0x10]  }
0x2e1: {  	v0 =	vld [tilespmem:s28+$0xD0]  }
0x2e2: {  	v3 =	vld [tilespmem:s28+$0xFFFFFFD0]  }
0x2e3: {  	[tilespmem:s26+$0xFFFFFF00] =	vst v7;
	v6 =	vld [tilespmem:s28+$0x50]  }
0x2e4: {  	[tilespmem:s24+$0xFFFFFF40] =	vst v1;
	v1 =	vld [tilespmem:s25+$0xFFFFFF10]  }
0x2e5: {  	v7 =	vld [tilespmem:s28+$0xFFFFFF50];
	_ =	sdelay $0x1  }
0x2e6: {  	v5 =	vld.idx.msk [tilespmem:v5+s3+$0x0], $0xffff  }
0x2e7: {  	v2 =	vld.idx.msk [tilespmem:v2+s3+$0x0], $0xffff  }
0x2e8: {  	v0 =	vld.idx.msk [tilespmem:v0+s3+$0x0], $0xffff  }
0x2e9: {  	v3 =	vld.idx.msk [tilespmem:v3+s3+$0x0], $0xffff  }
0x2ea: {  	v6 =	vld.idx.msk [tilespmem:v6+s3+$0x0], $0xffff  }
0x2eb: {  	v1 =	vld.idx.msk [tilespmem:v1+s3+$0x0], $0xffff  }
0x2ec: {  	v4 =	vld.idx.msk [tilespmem:v7+s3+$0x0], $0xffff  }
0x2ed: {  	[tilespmem:s26+$0x10] =	vst v2;
	v7 =	vld [tilespmem:s25+$0xFFFFFFA0]  }
0x2ee: {  	[tilespmem:s24+$0xD0] =	vst v0;
	v2 =	vld [tilespmem:s25+$0x20]  }
0x2ef: {  	[tilespmem:s24+$0xFFFFFFD0] =	vst v3;
	v0 =	vld [tilespmem:s28+$0xE0]  }
0x2f0: {  	v3 =	vld [tilespmem:s28+$0xFFFFFFE0];
	[tilespmem:s26+$0xFFFFFF10] =	vst v1  }
0x2f1: {  	v1 =	vld [tilespmem:s25+$0xFFFFFF20];
	[tilespmem:s24+$0xFFFFFF50] =	vst v4  }
0x2f2: {  	[tilespmem:s26+$0xA0] =	vst v5;
	v4 =	vld [tilespmem:s28+$0xFFFFFF60]  }
0x2f3: {  	v5 =	vld [tilespmem:s25+$0xB0];
	[tilespmem:s24+$0x50] =	vst v6  }
0x2f4: {  	v6 =	vld [tilespmem:s28+$0x60]  }
0x2f5: {  	v7 =	vld.idx.msk [tilespmem:v7+s3+$0x0], $0xffff  }
0x2f6: {  	v2 =	vld.idx.msk [tilespmem:v2+s3+$0x0], $0xffff  }
0x2f7: {  	v0 =	vld.idx.msk [tilespmem:v0+s3+$0x0], $0xffff  }
0x2f8: {  	v3 =	vld.idx.msk [tilespmem:v3+s3+$0x0], $0xffff  }
0x2f9: {  	v1 =	vld.idx.msk [tilespmem:v1+s3+$0x0], $0xffff  }
0x2fa: {  	[tilespmem:s26+$0xFFFFFFA0] =	vst v7;
	v4 =	vld.idx.msk [tilespmem:v4+s3+$0x0], $0xffff  }
0x2fb: {  	[tilespmem:s26+$0x20] =	vst v2;
	v7 =	vld [tilespmem:s25+$0xFFFFFFB0]  }
0x2fc: {  	[tilespmem:s24+$0xE0] =	vst v0;
	v2 =	vld [tilespmem:s25+$0x30]  }
0x2fd: {  	v0 =	vld [tilespmem:s28+$0xF0]  }
0x2fe: {  	v6 =	vld.idx.msk [tilespmem:v6+s3+$0x0], $0xffff;
	[tilespmem:s26+$0xFFFFFF20] =	vst v1  }
0x2ff: {  	[tilespmem:s24+$0xFFFFFFE0] =	vst v3;
	v1 =	vld [tilespmem:s25+$0xFFFFFF30]  }
0x300: {  	v3 =	vld.idx.msk [tilespmem:v5+s3+$0x0], $0xffff;
	[tilespmem:s24+$0xFFFFFF60] =	vst v4  }
0x301: {  	v4 =	vld [tilespmem:s28+$0xFFFFFF70]  }
0x302: {  	v9 =	vld [tilespmem:s28+$0xFFFFFFF0]  }
0x303: {  	v5 =	vld.idx.msk [tilespmem:v7+s3+$0x0], $0xffff  }
0x304: {  	v2 =	vld.idx.msk [tilespmem:v2+s3+$0x0], $0xffff  }
0x305: {  	[tilespmem:s24+$0x60] =	vst v6;
	v8 =	vld.idx.msk [tilespmem:v0+s3+$0x0], $0xffff  }
0x306: {  	v0 =	vld [tilespmem:s28+$0x70]  }
0x307: {  	[tilespmem:s26+$0xB0] =	vst v3;
	v6 =	vld.idx.msk [tilespmem:v1+s3+$0x0], $0xffff  }
0x308: {  	[tilespmem:s26+$0xFFFFFFB0] =	vst v5;
	v5 =	vld [tilespmem:s25+$0xC0]  }
0x309: {  	v1 =	vld.idx.msk [tilespmem:v4+s3+$0x0], $0xffff  }
0x30a: {  	[tilespmem:s26+$0x30] =	vst v2;
	v2 =	vld.idx.msk [tilespmem:v9+s3+$0x0], $0xffff  }
0x30b: {  	v3 =	vld [tilespmem:s25+$0xFFFFFFC0]  }
0x30c: {  	s29 =	simm.s32 $0x4;
	s30 =	simm.s32 $0x6D00;
	s28 =	simm.s32 $0x13300;
	v4 =	vld [tilespmem:s25+$0x40];
	[tilespmem:s24+$0xF0] =	vst v8  }
.LBB2_10:
0x30d: {  	v7 =	vld [tilespmem:s30+$0x80];
	s29 =	sadd.s32 $0x4, s29;
	[tilespmem:s26+$0xFFFFFF30] =	vst v6  }
0x30e: {  	v6 =	vld [tilespmem:s30+$0xFFFFFF80];
	p0 =	slt.u32 s29, $0xC4;
	[tilespmem:s24+$0xFFFFFF70] =	vst v1  }
0x30f: {  	v1 =	vld [tilespmem:s30+$0x0]  }
0x310: {  	v8 =	vld [tilespmem:s30+$0xFFFFFF00]  }
0x311: {  	v5 =	vld.idx.msk [tilespmem:v5+s3+$0x0], $0xffff  }
0x312: {  	v9 =	vld [tilespmem:s25+$0xFFFFFF40];
	[tilespmem:s24+$0xFFFFFFF0] =	vst v2  }
0x313: {  	v2 =	vld.idx.msk [tilespmem:v3+s3+$0x0], $0xffff  }
0x314: {  	v3 =	vld.idx.msk [tilespmem:v4+s3+$0x0], $0xffff  }
0x315: {  	v4 =	vld.idx.msk [tilespmem:v7+s3+$0x0], $0xffff  }
0x316: {  	v6 =	vld.idx.msk [tilespmem:v6+s3+$0x0], $0xffff  }
0x317: {  	v1 =	vld.idx.msk [tilespmem:v1+s3+$0x0], $0xffff;
	[tilespmem:s26+$0xC0] =	vst v5  }
0x318: {  	v5 =	vld [tilespmem:s25+$0xD0]  }
0x319: {  	v7 =	vld.idx.msk [tilespmem:v8+s3+$0x0], $0xffff;
	[tilespmem:s26+$0xFFFFFFC0] =	vst v2  }
0x31a: {  	s26 =	sadd.s32 $0x200, s26;
	v2 =	vld.idx.msk [tilespmem:v9+s3+$0x0], $0xffff;
	[tilespmem:s28+$0x40] =	vst v3  }
0x31b: {  	[tilespmem:s26+$0x80] =	vst v4;
	v3 =	vld [tilespmem:s25+$0xFFFFFFD0]  }
0x31c: {  	[tilespmem:s26+$0xFFFFFF80] =	vst v6;
	v4 =	vld [tilespmem:s30+$0x90]  }
0x31d: {  	v6 =	vld [tilespmem:s30+$0xFFFFFF90];
	[tilespmem:s26+$0x0] =	vst v1  }
0x31e: {  	v1 =	vld [tilespmem:s30+$0x10]  }
0x31f: {  	[tilespmem:s26+$0xFFFFFF00] =	vst v7;
	v7 =	vld [tilespmem:s25+$0x50]  }
0x320: {  	[tilespmem:s28+$0xFFFFFF40] =	vst v2;
	v2 =	vld.idx.msk [tilespmem:v5+s3+$0x0], $0xffff  }
0x321: {  	v5 =	vld [tilespmem:s30+$0xFFFFFF10]  }
0x322: {  	v8 =	vld [tilespmem:s25+$0xFFFFFF50]  }
0x323: {  	v3 =	vld.idx.msk [tilespmem:v3+s3+$0x0], $0xffff  }
0x324: {  	v4 =	vld.idx.msk [tilespmem:v4+s3+$0x0], $0xffff  }
0x325: {  	v6 =	vld.idx.msk [tilespmem:v6+s3+$0x0], $0xffff  }
0x326: {  	v1 =	vld.idx.msk [tilespmem:v1+s3+$0x0], $0xffff;
	[tilespmem:s28+$0xD0] =	vst v2  }
0x327: {  	v2 =	vld [tilespmem:s25+$0xE0]  }
0x328: {  	v7 =	vld.idx.msk [tilespmem:v7+s3+$0x0], $0xffff  }
0x329: {  	v5 =	vld.idx.msk [tilespmem:v5+s3+$0x0], $0xffff;
	[tilespmem:s28+$0xFFFFFFD0] =	vst v3  }
0x32a: {  	[tilespmem:s26+$0x90] =	vst v4;
	v3 =	vld.idx.msk [tilespmem:v8+s3+$0x0], $0xffff  }
0x32b: {  	[tilespmem:s26+$0xFFFFFF90] =	vst v6;
	v4 =	vld [tilespmem:s30+$0xA0]  }
0x32c: {  	v6 =	vld [tilespmem:s30+$0xFFFFFFA0];
	[tilespmem:s26+$0x10] =	vst v1  }
0x32d: {  	v1 =	vld [tilespmem:s30+$0x20]  }
0x32e: {  	v8 =	vld [tilespmem:s25+$0xFFFFFFE0];
	[tilespmem:s28+$0x50] =	vst v7  }
0x32f: {  	[tilespmem:s26+$0xFFFFFF10] =	vst v5;
	v2 =	vld.idx.msk [tilespmem:v2+s3+$0x0], $0xffff  }
0x330: {  	v5 =	vld [tilespmem:s30+$0xFFFFFF20];
	[tilespmem:s28+$0xFFFFFF50] =	vst v3  }
0x331: {  	v3 =	vld [tilespmem:s25+$0xFFFFFF60]  }
0x332: {  	v7 =	vld [tilespmem:s25+$0x60]  }
0x333: {  	v4 =	vld.idx.msk [tilespmem:v4+s3+$0x0], $0xffff  }
0x334: {  	v6 =	vld.idx.msk [tilespmem:v6+s3+$0x0], $0xffff  }
0x335: {  	v1 =	vld.idx.msk [tilespmem:v1+s3+$0x0], $0xffff;
	[tilespmem:s28+$0xE0] =	vst v2  }
0x336: {  	v2 =	vld [tilespmem:s25+$0xF0]  }
0x337: {  	v8 =	vld.idx.msk [tilespmem:v8+s3+$0x0], $0xffff  }
0x338: {  	v5 =	vld.idx.msk [tilespmem:v5+s3+$0x0], $0xffff  }
0x339: {  	[tilespmem:s26+$0xA0] =	vst v4;
	v3 =	vld.idx.msk [tilespmem:v3+s3+$0x0], $0xffff  }
0x33a: {  	[tilespmem:s26+$0xFFFFFFA0] =	vst v6;
	v4 =	vld [tilespmem:s30+$0xB0]  }
0x33b: {  	v6 =	vld [tilespmem:s30+$0xFFFFFFB0];
	[tilespmem:s26+$0x20] =	vst v1  }
0x33c: {  	v1 =	vld [tilespmem:s30+$0x30]  }
0x33d: {  	[tilespmem:s28+$0xFFFFFFE0] =	vst v8;
	v7 =	vld.idx.msk [tilespmem:v7+s3+$0x0], $0xffff  }
0x33e: {  	[tilespmem:s26+$0xFFFFFF20] =	vst v5;
	v2 =	vld.idx.msk [tilespmem:v2+s3+$0x0], $0xffff  }
0x33f: {  	v5 =	vld [tilespmem:s30+$0xFFFFFF30];
	[tilespmem:s28+$0xFFFFFF60] =	vst v3  }
0x340: {  	v3 =	vld [tilespmem:s25+$0xFFFFFF70]  }
0x341: {  	v8 =	vld [tilespmem:s25+$0xFFFFFFF0]  }
0x342: {  	v4 =	vld.idx.msk [tilespmem:v4+s3+$0x0], $0xffff  }
0x343: {  	v9 =	vld.idx.msk [tilespmem:v6+s3+$0x0], $0xffff;
	[tilespmem:s28+$0x60] =	vst v7  }
0x344: {  	v7 =	vld.idx.msk [tilespmem:v1+s3+$0x0], $0xffff;
	[tilespmem:s28+$0xF0] =	vst v2  }
0x345: {  	v2 =	vld [tilespmem:s25+$0x70];
	s25 =	smov.u32 s30  }
0x346: {  	v10 =	vld.idx.msk [tilespmem:v0+s3+$0x0], $0xffff  }
0x347: {  	v6 =	vld.idx.msk [tilespmem:v5+s3+$0x0], $0xffff  }
.Ltmp4:
0x348: {  	[tilespmem:s26+$0xB0] =	vst v4;
	v1 =	vld.idx.msk [tilespmem:v3+s3+$0x0], $0xffff;
	(pc) =	sbr.rel @p0 .LBB2_10-.Ltmp4, $4  }
0x349: {  	[tilespmem:s26+$0xFFFFFFB0] =	vst v9;
	v5 =	vld [tilespmem:s30+$0xC0]  }
0x34a: {  	v3 =	vld [tilespmem:s30+$0xFFFFFFC0];
	[tilespmem:s26+$0x30] =	vst v7;
	v0 =	vmov v2  }
0x34b: {  	v4 =	vld [tilespmem:s30+$0x40]  }
0x34c: {  	s30 =	sadd.s32 $0x200, s30;
	v2 =	vld.idx.msk [tilespmem:v8+s3+$0x0], $0xffff;
	[tilespmem:s24+$0x70] =	vst v10;
	s24 =	smov.u32 s28;
	s28 =	smov.u32 s26  }
0x34d: {  	[tilespmem:s26+$0xFFFFFF30] =	vst v6  }
0x34e: {  	v6 =	vld [tilespmem:s25+$0xFFFFFF40];
	_ =	sdelay $0x4  }
0x34f: {  	v5 =	vld.idx.msk [tilespmem:v5+s3+$0x0], $0xffff  }
0x350: {  	v3 =	vld.idx.msk [tilespmem:v3+s3+$0x0], $0xffff  }
0x351: {  	v4 =	vld.idx.msk [tilespmem:v4+s3+$0x0], $0xffff  }
0x352: {  	v6 =	vld.idx.msk [tilespmem:v6+s3+$0x0], $0xffff;
	_ =	sdelay $0x1  }
0x353: {  	[tilespmem:s26+$0xC0] =	vst v5  }
0x354: {  	v5 =	vld [tilespmem:s25+$0xD0];
	[tilespmem:s26+$0xFFFFFFC0] =	vst v3  }
0x355: {  	[tilespmem:s28+$0x40] =	vst v4;
	v60 =	vld [tilespmem:s25+$0xFFFFFFD0]  }
0x356: {  	v61 =	vld [tilespmem:s25+$0x50];
	[tilespmem:s28+$0xFFFFFF40] =	vst v6  }
0x357: {  	v59 =	vld [tilespmem:s25+$0xFFFFFF50];
	_ =	sdelay $0x4  }
0x358: {  	v5 =	vld.idx.msk [tilespmem:v5+s3+$0x0], $0xffff  }
0x359: {  	v4 =	vld.idx.msk [tilespmem:v60+s3+$0x0], $0xffff  }
0x35a: {  	v6 =	vld.idx.msk [tilespmem:v61+s3+$0x0], $0xffff  }
0x35b: {  	v3 =	vld.idx.msk [tilespmem:v59+s3+$0x0], $0xffff;
	_ =	sdelay $0x1  }
0x35c: {  	[tilespmem:s28+$0xD0] =	vst v5  }
0x35d: {  	v5 =	vld [tilespmem:s25+$0xE0];
	[tilespmem:s28+$0xFFFFFFD0] =	vst v4  }
0x35e: {  	v4 =	vld [tilespmem:s25+$0xFFFFFFE0];
	[tilespmem:s28+$0x50] =	vst v6  }
0x35f: {  	v6 =	vld [tilespmem:s25+$0x60];
	[tilespmem:s28+$0xFFFFFF50] =	vst v3  }
0x360: {  	v3 =	vld [tilespmem:s25+$0xFFFFFF60];
	_ =	sdelay $0x4  }
0x361: {  	v5 =	vld.idx.msk [tilespmem:v5+s3+$0x0], $0xffff  }
0x362: {  	v4 =	vld.idx.msk [tilespmem:v4+s3+$0x0], $0xffff  }
0x363: {  	v6 =	vld.idx.msk [tilespmem:v6+s3+$0x0], $0xffff  }
0x364: {  	v3 =	vld.idx.msk [tilespmem:v3+s3+$0x0], $0xffff;
	_ =	sdelay $0x1  }
0x365: {  	[tilespmem:s28+$0xE0] =	vst v5  }
0x366: {  	v5 =	vld [tilespmem:s25+$0xF0];
	[tilespmem:s28+$0xFFFFFFE0] =	vst v4  }
0x367: {  	v4 =	vld [tilespmem:s25+$0xFFFFFFF0];
	[tilespmem:s28+$0x60] =	vst v6  }
0x368: {  	v6 =	vld [tilespmem:s25+$0x70];
	[tilespmem:s28+$0xFFFFFF60] =	vst v3  }
0x369: {  	v3 =	vld [tilespmem:s25+$0xFFFFFF70];
	_ =	sdelay $0x3  }
0x36a: {  	v0 =	vld.idx.msk [tilespmem:v0+s3+$0x0], $0xffff  }
0x36b: {  	v5 =	vld.idx.msk [tilespmem:v5+s3+$0x0], $0xffff  }
0x36c: {  	v62 =	vld.idx.msk [tilespmem:v4+s3+$0x0], $0xffff  }
0x36d: {  	[tilespmem:s24+$0xFFFFFF70] =	vst v1;
	v63 =	vld.idx.msk [tilespmem:v6+s3+$0x0], $0xffff  }
0x36e: {  	[tilespmem:s24+$0xFFFFFFF0] =	vst v2;
	v3 =	vld.idx.msk [tilespmem:v3+s3+$0x0], $0xffff  }
0x36f: {  	[tilespmem:s24+$0x70] =	vst v0  }
0x370: {  	[tilespmem:s28+$0xF0] =	vst v5  }
0x371: {  	[tilespmem:s28+$0xFFFFFFF0] =	vst v62  }
0x372: {  	[tilespmem:s28+$0x70] =	vst v63  }
0x373: {  	s23 =	sadd.s32 $0x1, s23;
	[tilespmem:s28+$0xFFFFFF70] =	vst v3  }
0x374: {  	[hbm4b:s11+s14] =	stream.strided.scatter [tilespmem:s20], [sflag:$0x4], $0x6400, s13, s14, $0x38;
	[tilespmem:$0x19400] =	vst v63  }
0x375: {  	p0 =	sne.s32 s23, s12;
	_ =	swait.ge [sflag:s21], $0x6400  }
.Ltmp5:
0x376: {  	[sflag:s21] =	ssyncset.done $0x0;
	(pc) =	sbr.rel @p0 .LBB2_1-.Ltmp5, $4  }
0x377: {  	[sflag:s21] =	ssyncadd.s32 $0xFFFF9C00  }
0x378: {  	_ =	swait.ge [sflag:s22], $0x6400  }
0x379: {  	[sflag:s22] =	ssyncset.done $0x0  }
0x37a: {  	[sflag:s22] =	ssyncadd.s32 $0xFFFF9C00  }
0x37b: {  	_ =	sfence.sel $0x180000  }
0x37c: {  	[bflag:$0x0] =	sbarrier.arrive $0xFFFF  }
0x37d: {  	p0 =	sne.s32 s2, $0x0;
	_ =	strace $0x90000047  }
0x37e: {  	s0 =	sadd.s32 @!p0 $0x100000, s0;
	[bflag:$0x2] =	sbarrier.arrive $0xFFFF  }
0x37f: {  	[sflag:s0] =	ssyncadd.tile.s32 @!p0 $0x1;
	_ =	shalt  }
.Lfunc_end2:
_tile_overlayer_lowered:
.L_overlay_start_2:
0x380: {  	(tag) =	ssettag $0x2  }
0x381: {  	s0 =	rddreg [dreg:$0x0];
	s2 =	stileid.u32  }
0x382: {  	s1 =	rddreg [dreg:$0x1];
	p0 =	sne.s32 s2, $0x0  }
0x383: {  	s3 =	rddreg [dreg:$0x2];
	[bflag:$0x3] =	sbarrier.arrive $0xFFFF;
	s2 =	simm.s32 @!p0 $0x1C05  }
0x384: {  	[timem:s3], [sflag:s2] =	dma.local @!p0 [hbm:s0], s1  }
0x385: {  	s0 =	simm.s32 @!p0 $0x5  }
0x386: {  	_ =	swait.ge @!p0 [sflag:s0], s1  }
0x387: {  	s1 =	ssub.s32 @!p0 $0x0, s1;
	[sflag:s0] =	ssyncset.done @!p0 $0x0  }
0x388: {  	[sflag:s0] =	ssyncadd.s32 @!p0 s1  }
0x389: {  	[bflag:$0x3] =	sbarrier.arrive $0xFFFF  }
0x38a: {  	_ =	shalt  }

</sc_bundles>
